<compile_context>
chip_gen: v7x
topology: tpu7x:2x2x1
jax: 0.10.2.dev20260603
libtpu: 0.0.44.dev20260713+nightly
codegen_flags: <defaults>
</compile_context>

<pallas_src>
import functools

import jax
import jax.numpy as jnp
from jax import lax
from jax.experimental import pallas as pl
from jax.experimental.pallas import tpu as pltpu
from jax.experimental.pallas import tpu_sc as plsc

K = 16
G = 8
RB = 128
CT = 512
SC_NC = 2
SC_NS = 16
NW = SC_NC * SC_NS

_BIGI = 2**30



def _knn_body(nt, pn_ref, pnT_ref, out_ref):
    i = pl.program_id(0)
    rb = pn_ref[:, :]
    px, py, pz = rb[:, 0:1], rb[:, 1:2], rb[:, 2:3]
    bfr, sqr = rb[:, 6:7], rb[:, 7:8]
    row_ids = lax.broadcasted_iota(jnp.int32, (RB, 1), 0) + i * RB
    inf = jnp.float32(jnp.inf)

    def tile_body(t, carry):
        run_val, run_idx = carry
        c0 = pl.multiple_of(t * CT, CT)
        ct = pnT_ref[:, pl.ds(c0, CT)]
        cx, cy, cz = ct[0:1, :], ct[1:2, :], ct[2:3, :]
        bfc, sqc = ct[6:7, :], ct[7:8, :]
        d = sqr + sqc - 2.0 * (px * cx + py * cy + pz * cz)
        col_ids = lax.broadcasted_iota(jnp.int32, (1, CT), 1) + c0
        bad = (bfr != bfc) | (row_ids == col_ids)
        d = jnp.where(bad, inf, d)
        ev = jnp.concatenate([run_val, d], axis=1)
        ei = jnp.concatenate(
            [run_idx, jnp.broadcast_to(col_ids, d.shape)], axis=1)
        vals, idxs = [], []
        for _ in range(K):
            m = jnp.min(ev, axis=1, keepdims=True)
            pick = ev == m
            sel = jnp.min(jnp.where(pick, ei, _BIGI), axis=1,
                          keepdims=True)
            vals.append(m)
            idxs.append(sel)
            ev = jnp.where(pick & (ei == sel), inf, ev)
        return (jnp.concatenate(vals, axis=1),
                jnp.concatenate(idxs, axis=1))

    init = (jnp.full((RB, K), inf, jnp.float32),
            jnp.full((RB, K), _BIGI, jnp.int32))
    _, run_idx = lax.fori_loop(0, nt, tile_body, init)
    out_ref[:, :] = run_idx


def _knn(pn, pnT):
    npad = pn.shape[0]
    nb = npad // RB
    nt = npad // CT
    return pl.pallas_call(
        functools.partial(_knn_body, nt),
        grid=(nb,),
        in_specs=[
            pl.BlockSpec((RB, 16), lambda i: (i, 0)),
            pl.BlockSpec((16, npad), lambda i: (0, 0)),
        ],
        out_specs=pl.BlockSpec((RB, K), lambda i: (i, 0)),
        out_shape=jax.ShapeDtypeStruct((npad, K), jnp.int32),
    )(pn, pnT)



def _sc_gather(table, idx3):
    nw, nc, lanes = idx3.shape
    d = table.shape[1]
    b = nw * nc * lanes
    mesh = plsc.VectorSubcoreMesh(core_axis_name="c", subcore_axis_name="s")

    @functools.partial(
        pl.kernel,
        out_type=jax.ShapeDtypeStruct((b, d), jnp.float32),
        mesh=mesh,
        scratch_types=[
            pltpu.VMEM((nc, lanes), jnp.int32),
            pltpu.VMEM((lanes, d), jnp.float32),
            pltpu.SemaphoreType.DMA,
        ],
    )
    def gather_kernel(table_hbm, idx_hbm, out_hbm, idx_v, rows_v, sem):
        wid = lax.axis_index("s") * SC_NC + lax.axis_index("c")
        pltpu.sync_copy(idx_hbm.at[wid], idx_v)
        base = wid * (nc * lanes)

        def chunk(c, carry):
            pltpu.async_copy(table_hbm.at[idx_v.at[c]], rows_v, sem).wait()
            pltpu.sync_copy(rows_v, out_hbm.at[pl.ds(base + c * lanes, lanes)])
            return carry

        lax.fori_loop(0, nc, chunk, 0)

    return gather_kernel(table, idx3)



def _ppf_features(dstv, srcv):
    dx = srcv[:, 0:1] - dstv[:, 0:1]
    dy = srcv[:, 1:2] - dstv[:, 1:2]
    dz = srcv[:, 2:3] - dstv[:, 2:3]
    ndx, ndy, ndz = dstv[:, 3:4], dstv[:, 4:5], dstv[:, 5:6]
    nsx, nsy, nsz = srcv[:, 3:4], srcv[:, 4:5], srcv[:, 5:6]

    def ang(ax, ay, az, bx, by, bz):
        cx = ay * bz - az * by
        cy = az * bx - ax * bz
        cz = ax * by - ay * bx
        cn = jnp.sqrt(cx * cx + cy * cy + cz * cz)
        dt = ax * bx + ay * by + az * bz
        return jnp.arctan2(cn, dt)

    f1 = jnp.sqrt(dx * dx + dy * dy + dz * dz)
    f2 = ang(ndx, ndy, ndz, dx, dy, dz)
    f3 = ang(nsx, nsy, nsz, dx, dy, dz)
    f4 = ang(ndx, ndy, ndz, nsx, nsy, nsz)
    return jnp.concatenate([f1, f2, f3, f4], axis=1)


def _ppf_mm(ppf, w1p):
    acc = ppf[:, 0:1] * w1p[0:1, :]
    for c in range(1, 4):
        acc = acc + ppf[:, c:c + 1] * w1p[c:c + 1, :]
    return acc


def _layer0_body(pn_ref, png_ref, w1p_ref, b1_ref, w2_ref, b2_ref,
                 x_ref, ppf_ref):
    j = pl.program_id(1)
    ppf = _ppf_features(pn_ref[:, :], png_ref[0])
    ppf_ref[0] = ppf
    h1 = jnp.maximum(_ppf_mm(ppf, w1p_ref[:, :]) + b1_ref[:, :], 0.0)
    h = jnp.dot(h1, w2_ref[:, :], preferred_element_type=jnp.float32) + b2_ref[:, :]

    @pl.when(j == 0)
    def _():
        hs = (jnp.dot(jnp.maximum(b1_ref[:, :], 0.0), w2_ref[:, :],
                      preferred_element_type=jnp.float32) + b2_ref[:, :])
        x_ref[:, :] = jnp.maximum(h, hs)

    @pl.when(j > 0)
    def _():
        x_ref[:, :] = jnp.maximum(x_ref[:, :], h)

    @pl.when(j == K - 1)
    def _():
        x_ref[:, :] = jnp.maximum(x_ref[:, :], 0.0)


def _layer0(pn, png, w1p, b1, w2, b2):
    npad = pn.shape[0]
    nb = npad // RB
    h = w2.shape[0]
    return pl.pallas_call(
        _layer0_body,
        grid=(nb, K),
        in_specs=[
            pl.BlockSpec((RB, 16), lambda i, j: (i, 0)),
            pl.BlockSpec((1, RB, 128), lambda i, j: (j, i, 0)),
            pl.BlockSpec((4, h), lambda i, j: (0, 0)),
            pl.BlockSpec((1, h), lambda i, j: (0, 0)),
            pl.BlockSpec((h, h), lambda i, j: (0, 0)),
            pl.BlockSpec((1, h), lambda i, j: (0, 0)),
        ],
        out_specs=[
            pl.BlockSpec((RB, h), lambda i, j: (i, 0)),
            pl.BlockSpec((1, RB, 4), lambda i, j: (j, i, 0)),
        ],
        out_shape=[
            jax.ShapeDtypeStruct((npad, h), jnp.float32),
            jax.ShapeDtypeStruct((K, npad, 4), jnp.float32),
        ],
    )(pn, png, w1p, b1, w2, b2)


def _layer_body(x_ref, xg_ref, ppf_ref, w1x_ref, w1p_ref, b1_ref, w2_ref,
                b2_ref, o_ref):
    j = pl.program_id(1)
    h1 = jnp.maximum(
        jnp.dot(xg_ref[0], w1x_ref[:, :], preferred_element_type=jnp.float32)
        + _ppf_mm(ppf_ref[0], w1p_ref[:, :]) + b1_ref[:, :], 0.0)
    h = jnp.dot(h1, w2_ref[:, :], preferred_element_type=jnp.float32) + b2_ref[:, :]

    @pl.when(j == 0)
    def _():
        h1s = jnp.maximum(
            jnp.dot(x_ref[:, :], w1x_ref[:, :],
                    preferred_element_type=jnp.float32) + b1_ref[:, :], 0.0)
        hs = jnp.dot(h1s, w2_ref[:, :], preferred_element_type=jnp.float32) + b2_ref[:, :]
        o_ref[:, :] = jnp.maximum(h, hs)

    @pl.when(j > 0)
    def _():
        o_ref[:, :] = jnp.maximum(o_ref[:, :], h)

    @pl.when(j == K - 1)
    def _():
        o_ref[:, :] = jnp.maximum(o_ref[:, :], 0.0)


def _layer(x, xg, ppfT, w1x, w1p, b1, w2, b2):
    npad = x.shape[0]
    nb = npad // RB
    h = w2.shape[0]
    return pl.pallas_call(
        _layer_body,
        grid=(nb, K),
        in_specs=[
            pl.BlockSpec((RB, h), lambda i, j: (i, 0)),
            pl.BlockSpec((1, RB, h), lambda i, j: (j, i, 0)),
            pl.BlockSpec((1, RB, 4), lambda i, j: (j, i, 0)),
            pl.BlockSpec((h, h), lambda i, j: (0, 0)),
            pl.BlockSpec((4, h), lambda i, j: (0, 0)),
            pl.BlockSpec((1, h), lambda i, j: (0, 0)),
            pl.BlockSpec((h, h), lambda i, j: (0, 0)),
            pl.BlockSpec((1, h), lambda i, j: (0, 0)),
        ],
        out_specs=pl.BlockSpec((RB, h), lambda i, j: (i, 0)),
        out_shape=jax.ShapeDtypeStruct((npad, h), jnp.float32),
    )(x, xg, ppfT, w1x, w1p, b1, w2, b2)



def _pool_body(nb, x_ref, pn_ref, wc_ref, bc_ref, o_ref, pool_ref):
    i = pl.program_id(0)

    @pl.when(i == 0)
    def _():
        pool_ref[:, :] = jnp.full_like(pool_ref, -jnp.inf)

    xb = x_ref[:, :]
    bfr = pn_ref[:, 6:7]
    for g in range(G):
        m = jnp.max(jnp.where(bfr == jnp.float32(g), xb, -jnp.inf), axis=0,
                    keepdims=True)
        pool_ref[g:g + 1, :] = jnp.maximum(pool_ref[g:g + 1, :], m)

    @pl.when(i == nb - 1)
    def _():
        o_ref[:, :] = (jnp.dot(pool_ref[:, :], wc_ref[:, :],
                               preferred_element_type=jnp.float32)
                       + bc_ref[:, :])


def _pool(x, pn, wc, bc):
    npad = x.shape[0]
    nb = npad // RB
    h = x.shape[1]
    c = wc.shape[1]
    return pl.pallas_call(
        functools.partial(_pool_body, nb),
        grid=(nb,),
        in_specs=[
            pl.BlockSpec((RB, h), lambda i: (i, 0)),
            pl.BlockSpec((RB, 16), lambda i: (i, 0)),
            pl.BlockSpec((h, c), lambda i: (0, 0)),
            pl.BlockSpec((1, c), lambda i: (0, 0)),
        ],
        out_specs=pl.BlockSpec((G, c), lambda i: (0, 0)),
        out_shape=jax.ShapeDtypeStruct((G, c), jnp.float32),
        scratch_shapes=[pltpu.VMEM((G, h), jnp.float32)],
    )(x, pn, wc, bc)



def kernel(pos, normal, batch, W1_0, b1_0, W2_0, b2_0, W1_1, b1_1, W2_1,
           b2_1, W1_2, b1_2, W2_2, b2_2, Wc, bc):
    n = pos.shape[0]
    npad = -(-n // CT) * CT
    pad = npad - n
    h = W2_0.shape[0]

    posp = jnp.pad(pos, ((0, pad), (0, 0)))
    normp = jnp.pad(normal, ((0, pad), (0, 0)))
    bf = jnp.pad(batch.astype(jnp.float32), (0, pad), constant_values=float(G))
    sq = jnp.sum(posp * posp, axis=1)
    pn = jnp.concatenate(
        [posp, normp, bf[:, None], sq[:, None],
         jnp.zeros((npad, 8), jnp.float32)], axis=1)
    pnT = pn.T

    idx = _knn(pn, pnT)
    idx3 = idx.T.reshape(NW, (K * npad) // (NW * RB), RB)

    pn128 = jnp.pad(pn, ((0, 0), (0, 128 - pn.shape[1])))
    png = _sc_gather(pn128, idx3).reshape(K, npad, 128)
    x, ppfT = _layer0(pn, png, W1_0, b1_0[None, :], W2_0, b2_0[None, :])

    for (w1, b1, w2, b2) in ((W1_1, b1_1, W2_1, b2_1),
                             (W1_2, b1_2, W2_2, b2_2)):
        xg = _sc_gather(x, idx3).reshape(K, npad, h)
        x = _layer(x, xg, ppfT, w1[:h], w1[h:], b1[None, :], w2, b2[None, :])

    return _pool(x, pn, Wc, bc[None, :])

# --- scband reference (transcript-rebuilt; emitter-appended) ---
"""Pipeline reference for scband-ppfnet-75204877353245 (READ-ONLY COPY).

The authoritative reference and input builder live on the scoring server;
editing this copy changes nothing except your own understanding.
"""

import jax, jax.numpy as jnp
import numpy as np

N = 10000
K_NEIGHBORS = 16
NUM_GRAPHS = 8
IN_CHANNELS = 4
HIDDEN = 128
OUT_CHANNELS = 40
NUM_LAYERS = 3


def _lin_init(key, fin, fout):
    k1, k2 = jax.random.split(key)
    lim = 1.0 / np.sqrt(fin)
    W = jax.random.uniform(k1, (fin, fout), minval=-lim, maxval=lim, dtype=jnp.float32)
    b = jax.random.uniform(k2, (fout,), minval=-lim, maxval=lim, dtype=jnp.float32)
    return W, b


def setup_inputs(seed: int = 0):
    key = jax.random.key(seed)
    ks = jax.random.split(key, 12)
    pos = jax.random.normal(ks[0], (N, 3), dtype=jnp.float32)
    normal = jax.random.normal(ks[1], (N, 3), dtype=jnp.float32)
    normal = normal / (jnp.linalg.norm(normal, axis=1, keepdims=True) + 1e-12)
    batch = jnp.sort(jax.random.randint(ks[2], (N,), 0, NUM_GRAPHS, dtype=jnp.int32))
    inp = {"pos": pos, "normal": normal, "batch": batch}
    for layer in range(NUM_LAYERS):
        fin = IN_CHANNELS if layer == 0 else HIDDEN + IN_CHANNELS
        W1, b1 = _lin_init(ks[3 + layer], fin, HIDDEN)
        W2, b2 = _lin_init(ks[6 + layer], HIDDEN, HIDDEN)
        inp["W1_%d" % layer] = W1
        inp["b1_%d" % layer] = b1
        inp["W2_%d" % layer] = W2
        inp["b2_%d" % layer] = b2
    Wc, bc = _lin_init(ks[9], HIDDEN, OUT_CHANNELS)
    inp["Wc"] = Wc
    inp["bc"] = bc
    return inp


def knn_graph(pos, batch, k):
    # torch_geometric knn_graph, loop=False, flow='source_to_target'
    n = pos.shape[0]
    sq = jnp.sum(pos * pos, axis=1)
    dist = sq[:, None] + sq[None, :] - 2.0 * (pos @ pos.T)
    mask = batch[:, None] != batch[None, :]
    dist = jnp.where(mask, jnp.inf, dist)
    dist = dist.at[jnp.arange(n), jnp.arange(n)].set(jnp.inf)
    _, idx = jax.lax.top_k(-dist, k)
    src = idx.reshape(-1)
    dst = jnp.repeat(jnp.arange(n), k)
    return jnp.stack([src, dst], axis=0)


def _angle(v1, v2):
    c = jnp.cross(v1, v2)
    return jnp.arctan2(jnp.linalg.norm(c, axis=1), jnp.sum(v1 * v2, axis=1))


def point_pair_features(pos_i, pos_j, n_i, n_j):
    pseudo = pos_j - pos_i
    return jnp.stack([
        jnp.linalg.norm(pseudo, axis=1),
        _angle(n_i, pseudo),
        _angle(n_j, pseudo),
        _angle(n_i, n_j),
    ], axis=1)


def ppf_conv(x, pos, normal, edge_index, W1, b1, W2, b2):
    # PyG PPFConv: aggr='max', add_self_loops=True, local_nn=MLP, global_nn=None
    n = pos.shape[0]
    src, dst = edge_index[0], edge_index[1]
    ppf = point_pair_features(pos[dst], pos[src], normal[dst], normal[src])
    # self-loop PPF is identically zero (pseudo=0)
    loop = jnp.arange(n)
    src_all = jnp.concatenate([src, loop])
    dst_all = jnp.concatenate([dst, loop])
    ppf_all = jnp.concatenate([ppf, jnp.zeros((n, 4), dtype=ppf.dtype)], axis=0)
    if x is None:
        msg = ppf_all
    else:
        msg = jnp.concatenate([x[src_all], ppf_all], axis=1)
    h = jnp.maximum(msg @ W1 + b1, 0.0) @ W2 + b2
    return jax.ops.segment_max(h, dst_all, num_segments=n)


def reference(pos, normal, batch, W1_0, b1_0, W2_0, b2_0, W1_1, b1_1, W2_1, b2_1, W1_2, b1_2, W2_2, b2_2, Wc, bc):
    edge_index = knn_graph(pos, batch, K_NEIGHBORS)
    layers = [(W1_0, b1_0, W2_0, b2_0), (W1_1, b1_1, W2_1, b2_1), (W1_2, b1_2, W2_2, b2_2)]
    x = None
    for (W1, b1, W2, b2) in layers:
        x = ppf_conv(x, pos, normal, edge_index, W1, b1, W2, b2)
        x = jnp.maximum(x, 0.0)
    pooled = jax.ops.segment_max(x, batch, num_segments=NUM_GRAPHS)
    return pooled @ Wc + bc

if __name__ == "__main__":
    import jax
    _d = setup_inputs()
    print(jax.jit(kernel)(*tuple(_d.values())))

</pallas_src>

<mosaic_0001>
#map = affine_map<(d0, d1) -> (0, 0)>
#map1 = affine_map<(d0, d1) -> (0, 0, 0)>
module attributes {stable_mosaic.version = 14 : i64} {
  func.func @gather_kernel(%arg0: i32, %arg1: i32, %arg2: memref<10240x128xf32, #tpu.memory_space<hbm>>, %arg3: memref<32x40x128xi32, #tpu.memory_space<hbm>>, %arg4: memref<163840x128xf32, #tpu.memory_space<hbm>>, %arg5: memref<40x128xi32, #tpu.memory_space<vmem>>, %arg6: memref<128x128xf32, #tpu.memory_space<vmem>>, %arg7: memref<!tpu.dma_semaphore, #tpu.memory_space<semaphore_mem>>) attributes {dimension_semantics = [#tpu.dimension_semantics<core_parallel>, #tpu.dimension_semantics<subcore_parallel>], iteration_bounds = array<i64: 2, 16>, scalar_prefetch = 0 : i64, scratch_operands = 3 : i64, tpu.core_type = #tpu.core_type<sc_vector_subcore>, window_params = [{transform_indices = #map}, {transform_indices = #map1}, {transform_indices = #map}]} {
    %mul3A = arith.constant 2 : i32
    %mul3A_0 = arith.muli %arg1, %mul3A : i32
    %add3A = arith.addi %mul3A_0, %arg0 : i32
    "tpu.region"() ({
      %run_scoped3A = tpu.sem_alloc : memref<!tpu.dma_semaphore, #tpu.memory_space<semaphore_mem>>
      %dma_start3A = arith.constant 0 : i32
      %dma_start3A_8 = arith.constant 0 : i32
      %dma_start3A_9 = tpu.memref_slice %arg3[%add3A, %dma_start3A, %dma_start3A_8] : memref<32x40x128xi32, #tpu.memory_space<hbm>> -> memref<1x40x128xi32, #tpu.memory_space<hbm>>
      %dma_start3A_10 = tpu.memref_squeeze %dma_start3A_9 : memref<1x40x128xi32, #tpu.memory_space<hbm>> -> memref<40x128xi32, #tpu.memory_space<hbm>>
      %dma_start3A_11 = arith.constant 0 : i32
      %dma_start3A_12 = arith.constant 0 : i32
      %dma_start3A_13 = tpu.memref_slice %arg3[%add3A, %dma_start3A_11, %dma_start3A_12] : memref<32x40x128xi32, #tpu.memory_space<hbm>> -> memref<1x40x128xi32, #tpu.memory_space<hbm>>
      %dma_start3A_14 = tpu.memref_squeeze %dma_start3A_13 : memref<1x40x128xi32, #tpu.memory_space<hbm>> -> memref<40x128xi32, #tpu.memory_space<hbm>>
      tpu.enqueue_dma source(%dma_start3A_14 : memref<40x128xi32, #tpu.memory_space<hbm>>) target(%arg5 : memref<40x128xi32, #tpu.memory_space<vmem>>) target_semaphore(%run_scoped3A : memref<!tpu.dma_semaphore, #tpu.memory_space<semaphore_mem>>)
      %dma_wait3A = arith.constant 0 : i32
      %dma_wait3A_15 = arith.constant 0 : i32
      %dma_wait3A_16 = tpu.memref_slice %arg3[%add3A, %dma_wait3A, %dma_wait3A_15] : memref<32x40x128xi32, #tpu.memory_space<hbm>> -> memref<1x40x128xi32, #tpu.memory_space<hbm>>
      %dma_wait3A_17 = tpu.memref_squeeze %dma_wait3A_16 : memref<1x40x128xi32, #tpu.memory_space<hbm>> -> memref<40x128xi32, #tpu.memory_space<hbm>>
      %dma_wait3A_18 = arith.constant 0 : i32
      %dma_wait3A_19 = arith.constant 0 : i32
      %dma_wait3A_20 = tpu.memref_slice %arg3[%add3A, %dma_wait3A_18, %dma_wait3A_19] : memref<32x40x128xi32, #tpu.memory_space<hbm>> -> memref<1x40x128xi32, #tpu.memory_space<hbm>>
      %dma_wait3A_21 = tpu.memref_squeeze %dma_wait3A_20 : memref<1x40x128xi32, #tpu.memory_space<hbm>> -> memref<40x128xi32, #tpu.memory_space<hbm>>
      tpu.wait_dma2 semaphore(%run_scoped3A : memref<!tpu.dma_semaphore, #tpu.memory_space<semaphore_mem>>) src(%dma_wait3A_21 : memref<40x128xi32, #tpu.memory_space<hbm>>) dst(%arg5 : memref<40x128xi32, #tpu.memory_space<vmem>>)
      tpu.yield
    }) : () -> ()
    %mul3A_1 = arith.constant 5120 : i32
    %mul3A_2 = arith.muli %add3A, %mul3A_1 : i32
    %scan3A = arith.constant 0 : i32
    %scan3A_3 = arith.constant 0 : i32
    %scan3A_4 = arith.constant 40 : i32
    %scan3A_5 = arith.addi %scan3A_3, %scan3A_4 : i32
    %scan3A_6 = arith.constant 1 : i32
    scf.for %scan3A_8 = %scan3A_3 to %scan3A_5 step %scan3A_6  : i32 {
      %dma_start3A = arith.constant 0 : i32
      %dma_start3A_9 = tpu.memref_slice %arg5[%scan3A_8, %dma_start3A] : memref<40x128xi32, #tpu.memory_space<vmem>> -> memref<1x128xi32, #tpu.memory_space<vmem>>
      %dma_start3A_10 = tpu.memref_squeeze %dma_start3A_9 : memref<1x128xi32, #tpu.memory_space<vmem>> -> memref<128xi32, #tpu.memory_space<vmem>>
      %dma_start3A_11 = arith.constant 0 : i32
      %dma_start3A_12 = arith.constant 0 : i32
      %dma_start3A_13 = tpu.memref_slice %arg2[%dma_start3A_11, %dma_start3A_12] : memref<10240x128xf32, #tpu.memory_space<hbm>> -> memref<10240x128xf32, #tpu.memory_space<hbm>>
      tpu.enqueue_indirect_dma source(%dma_start3A_13 : memref<10240x128xf32, #tpu.memory_space<hbm>>) target(%arg6 : memref<128x128xf32, #tpu.memory_space<vmem>>) offsets(%dma_start3A_10 : memref<128xi32, #tpu.memory_space<vmem>>) semaphore(%arg7 : memref<!tpu.dma_semaphore, #tpu.memory_space<semaphore_mem>>)
      %dma_wait3A = arith.constant 0 : i32
      %dma_wait3A_14 = tpu.memref_slice %arg5[%scan3A_8, %dma_wait3A] : memref<40x128xi32, #tpu.memory_space<vmem>> -> memref<1x128xi32, #tpu.memory_space<vmem>>
      %dma_wait3A_15 = tpu.memref_squeeze %dma_wait3A_14 : memref<1x128xi32, #tpu.memory_space<vmem>> -> memref<128xi32, #tpu.memory_space<vmem>>
      %dma_wait3A_16 = arith.constant 0 : i32
      %dma_wait3A_17 = arith.constant 0 : i32
      %dma_wait3A_18 = tpu.memref_slice %arg2[%dma_wait3A_16, %dma_wait3A_17] : memref<10240x128xf32, #tpu.memory_space<hbm>> -> memref<10240x128xf32, #tpu.memory_space<hbm>>
      tpu.wait_indirect_dma semaphore(%arg7 : memref<!tpu.dma_semaphore, #tpu.memory_space<semaphore_mem>>) src(%dma_wait3A_18 : memref<10240x128xf32, #tpu.memory_space<hbm>>) dst(%arg6 : memref<128x128xf32, #tpu.memory_space<vmem>>)
      %mul3A_19 = arith.constant 128 : i32
      %mul3A_20 = arith.muli %scan3A_8, %mul3A_19 : i32
      %add3A_21 = arith.addi %mul3A_2, %mul3A_20 : i32
      "tpu.region"() ({
        %run_scoped3A = tpu.sem_alloc : memref<!tpu.dma_semaphore, #tpu.memory_space<semaphore_mem>>
        %dma_start3A_22 = arith.constant 0 : i32
        %dma_start3A_23 = tpu.memref_slice %arg4[%add3A_21, %dma_start3A_22] : memref<163840x128xf32, #tpu.memory_space<hbm>> -> memref<128x128xf32, #tpu.memory_space<hbm>>
        %dma_start3A_24 = arith.constant 0 : i32
        %dma_start3A_25 = tpu.memref_slice %arg4[%add3A_21, %dma_start3A_24] : memref<163840x128xf32, #tpu.memory_space<hbm>> -> memref<128x128xf32, #tpu.memory_space<hbm>>
        tpu.enqueue_dma source(%arg6 : memref<128x128xf32, #tpu.memory_space<vmem>>) target(%dma_start3A_25 : memref<128x128xf32, #tpu.memory_space<hbm>>) target_semaphore(%run_scoped3A : memref<!tpu.dma_semaphore, #tpu.memory_space<semaphore_mem>>)
        %dma_wait3A_26 = arith.constant 0 : i32
        %dma_wait3A_27 = tpu.memref_slice %arg4[%add3A_21, %dma_wait3A_26] : memref<163840x128xf32, #tpu.memory_space<hbm>> -> memref<128x128xf32, #tpu.memory_space<hbm>>
        %dma_wait3A_28 = arith.constant 0 : i32
        %dma_wait3A_29 = tpu.memref_slice %arg4[%add3A_21, %dma_wait3A_28] : memref<163840x128xf32, #tpu.memory_space<hbm>> -> memref<128x128xf32, #tpu.memory_space<hbm>>
        tpu.wait_dma2 semaphore(%run_scoped3A : memref<!tpu.dma_semaphore, #tpu.memory_space<semaphore_mem>>) src(%arg6 : memref<128x128xf32, #tpu.memory_space<vmem>>) dst(%dma_wait3A_29 : memref<128x128xf32, #tpu.memory_space<hbm>>)
        tpu.yield
      }) : () -> ()
    }
    %scan3A_7 = arith.constant 40 : i32
    return
  }
}

#map = affine_map<(d0, d1) -> (0, 0)>
#map1 = affine_map<(d0, d1) -> (0, 0, 0)>
module attributes {stable_mosaic.version = 14 : i64} {
  func.func @gather_kernel(%arg0: i32, %arg1: i32, %arg2: memref<10240x128xf32, #tpu.memory_space<hbm>>, %arg3: memref<32x40x128xi32, #tpu.memory_space<hbm>>, %arg4: memref<163840x128xf32, #tpu.memory_space<hbm>>, %arg5: memref<40x128xi32, #tpu.memory_space<vmem>>, %arg6: memref<128x128xf32, #tpu.memory_space<vmem>>, %arg7: memref<!tpu.dma_semaphore, #tpu.memory_space<semaphore_mem>>) attributes {dimension_semantics = [#tpu.dimension_semantics<core_parallel>, #tpu.dimension_semantics<subcore_parallel>], iteration_bounds = array<i64: 2, 16>, scalar_prefetch = 0 : i64, scratch_operands = 3 : i64, tpu.core_type = #tpu.core_type<sc_vector_subcore>, window_params = [{transform_indices = #map}, {transform_indices = #map1}, {transform_indices = #map}]} {
    %mul3A = arith.constant 2 : i32
    %mul3A_0 = arith.muli %arg1, %mul3A : i32
    %add3A = arith.addi %mul3A_0, %arg0 : i32
    "tpu.region"() ({
      %run_scoped3A = tpu.sem_alloc : memref<!tpu.dma_semaphore, #tpu.memory_space<semaphore_mem>>
      %dma_start3A = arith.constant 0 : i32
      %dma_start3A_8 = arith.constant 0 : i32
      %dma_start3A_9 = tpu.memref_slice %arg3[%add3A, %dma_start3A, %dma_start3A_8] : memref<32x40x128xi32, #tpu.memory_space<hbm>> -> memref<1x40x128xi32, #tpu.memory_space<hbm>>
      %dma_start3A_10 = tpu.memref_squeeze %dma_start3A_9 : memref<1x40x128xi32, #tpu.memory_space<hbm>> -> memref<40x128xi32, #tpu.memory_space<hbm>>
      %dma_start3A_11 = arith.constant 0 : i32
      %dma_start3A_12 = arith.constant 0 : i32
      %dma_start3A_13 = tpu.memref_slice %arg3[%add3A, %dma_start3A_11, %dma_start3A_12] : memref<32x40x128xi32, #tpu.memory_space<hbm>> -> memref<1x40x128xi32, #tpu.memory_space<hbm>>
      %dma_start3A_14 = tpu.memref_squeeze %dma_start3A_13 : memref<1x40x128xi32, #tpu.memory_space<hbm>> -> memref<40x128xi32, #tpu.memory_space<hbm>>
      tpu.enqueue_dma source(%dma_start3A_14 : memref<40x128xi32, #tpu.memory_space<hbm>>) target(%arg5 : memref<40x128xi32, #tpu.memory_space<vmem>>) target_semaphore(%run_scoped3A : memref<!tpu.dma_semaphore, #tpu.memory_space<semaphore_mem>>)
      %dma_wait3A = arith.constant 0 : i32
      %dma_wait3A_15 = arith.constant 0 : i32
      %dma_wait3A_16 = tpu.memref_slice %arg3[%add3A, %dma_wait3A, %dma_wait3A_15] : memref<32x40x128xi32, #tpu.memory_space<hbm>> -> memref<1x40x128xi32, #tpu.memory_space<hbm>>
      %dma_wait3A_17 = tpu.memref_squeeze %dma_wait3A_16 : memref<1x40x128xi32, #tpu.memory_space<hbm>> -> memref<40x128xi32, #tpu.memory_space<hbm>>
      %dma_wait3A_18 = arith.constant 0 : i32
      %dma_wait3A_19 = arith.constant 0 : i32
      %dma_wait3A_20 = tpu.memref_slice %arg3[%add3A, %dma_wait3A_18, %dma_wait3A_19] : memref<32x40x128xi32, #tpu.memory_space<hbm>> -> memref<1x40x128xi32, #tpu.memory_space<hbm>>
      %dma_wait3A_21 = tpu.memref_squeeze %dma_wait3A_20 : memref<1x40x128xi32, #tpu.memory_space<hbm>> -> memref<40x128xi32, #tpu.memory_space<hbm>>
      tpu.wait_dma2 semaphore(%run_scoped3A : memref<!tpu.dma_semaphore, #tpu.memory_space<semaphore_mem>>) src(%dma_wait3A_21 : memref<40x128xi32, #tpu.memory_space<hbm>>) dst(%arg5 : memref<40x128xi32, #tpu.memory_space<vmem>>)
      tpu.yield
    }) : () -> ()
    %mul3A_1 = arith.constant 5120 : i32
    %mul3A_2 = arith.muli %add3A, %mul3A_1 : i32
    %scan3A = arith.constant 0 : i32
    %scan3A_3 = arith.constant 0 : i32
    %scan3A_4 = arith.constant 40 : i32
    %scan3A_5 = arith.addi %scan3A_3, %scan3A_4 : i32
    %scan3A_6 = arith.constant 1 : i32
    scf.for %scan3A_8 = %scan3A_3 to %scan3A_5 step %scan3A_6  : i32 {
      %dma_start3A = arith.constant 0 : i32
      %dma_start3A_9 = tpu.memref_slice %arg5[%scan3A_8, %dma_start3A] : memref<40x128xi32, #tpu.memory_space<vmem>> -> memref<1x128xi32, #tpu.memory_space<vmem>>
      %dma_start3A_10 = tpu.memref_squeeze %dma_start3A_9 : memref<1x128xi32, #tpu.memory_space<vmem>> -> memref<128xi32, #tpu.memory_space<vmem>>
      %dma_start3A_11 = arith.constant 0 : i32
      %dma_start3A_12 = arith.constant 0 : i32
      %dma_start3A_13 = tpu.memref_slice %arg2[%dma_start3A_11, %dma_start3A_12] : memref<10240x128xf32, #tpu.memory_space<hbm>> -> memref<10240x128xf32, #tpu.memory_space<hbm>>
      tpu.enqueue_indirect_dma source(%dma_start3A_13 : memref<10240x128xf32, #tpu.memory_space<hbm>>) target(%arg6 : memref<128x128xf32, #tpu.memory_space<vmem>>) offsets(%dma_start3A_10 : memref<128xi32, #tpu.memory_space<vmem>>) semaphore(%arg7 : memref<!tpu.dma_semaphore, #tpu.memory_space<semaphore_mem>>)
      %dma_wait3A = arith.constant 0 : i32
      %dma_wait3A_14 = tpu.memref_slice %arg5[%scan3A_8, %dma_wait3A] : memref<40x128xi32, #tpu.memory_space<vmem>> -> memref<1x128xi32, #tpu.memory_space<vmem>>
      %dma_wait3A_15 = tpu.memref_squeeze %dma_wait3A_14 : memref<1x128xi32, #tpu.memory_space<vmem>> -> memref<128xi32, #tpu.memory_space<vmem>>
      %dma_wait3A_16 = arith.constant 0 : i32
      %dma_wait3A_17 = arith.constant 0 : i32
      %dma_wait3A_18 = tpu.memref_slice %arg2[%dma_wait3A_16, %dma_wait3A_17] : memref<10240x128xf32, #tpu.memory_space<hbm>> -> memref<10240x128xf32, #tpu.memory_space<hbm>>
      tpu.wait_indirect_dma semaphore(%arg7 : memref<!tpu.dma_semaphore, #tpu.memory_space<semaphore_mem>>) src(%dma_wait3A_18 : memref<10240x128xf32, #tpu.memory_space<hbm>>) dst(%arg6 : memref<128x128xf32, #tpu.memory_space<vmem>>)
      %mul3A_19 = arith.constant 128 : i32
      %mul3A_20 = arith.muli %scan3A_8, %mul3A_19 : i32
      %add3A_21 = arith.addi %mul3A_2, %mul3A_20 : i32
      "tpu.region"() ({
        %run_scoped3A = tpu.sem_alloc : memref<!tpu.dma_semaphore, #tpu.memory_space<semaphore_mem>>
        %dma_start3A_22 = arith.constant 0 : i32
        %dma_start3A_23 = tpu.memref_slice %arg4[%add3A_21, %dma_start3A_22] : memref<163840x128xf32, #tpu.memory_space<hbm>> -> memref<128x128xf32, #tpu.memory_space<hbm>>
        %dma_start3A_24 = arith.constant 0 : i32
        %dma_start3A_25 = tpu.memref_slice %arg4[%add3A_21, %dma_start3A_24] : memref<163840x128xf32, #tpu.memory_space<hbm>> -> memref<128x128xf32, #tpu.memory_space<hbm>>
        tpu.enqueue_dma source(%arg6 : memref<128x128xf32, #tpu.memory_space<vmem>>) target(%dma_start3A_25 : memref<128x128xf32, #tpu.memory_space<hbm>>) target_semaphore(%run_scoped3A : memref<!tpu.dma_semaphore, #tpu.memory_space<semaphore_mem>>)
        %dma_wait3A_26 = arith.constant 0 : i32
        %dma_wait3A_27 = tpu.memref_slice %arg4[%add3A_21, %dma_wait3A_26] : memref<163840x128xf32, #tpu.memory_space<hbm>> -> memref<128x128xf32, #tpu.memory_space<hbm>>
        %dma_wait3A_28 = arith.constant 0 : i32
        %dma_wait3A_29 = tpu.memref_slice %arg4[%add3A_21, %dma_wait3A_28] : memref<163840x128xf32, #tpu.memory_space<hbm>> -> memref<128x128xf32, #tpu.memory_space<hbm>>
        tpu.wait_dma2 semaphore(%run_scoped3A : memref<!tpu.dma_semaphore, #tpu.memory_space<semaphore_mem>>) src(%arg6 : memref<128x128xf32, #tpu.memory_space<vmem>>) dst(%dma_wait3A_29 : memref<128x128xf32, #tpu.memory_space<hbm>>)
        tpu.yield
      }) : () -> ()
    }
    %scan3A_7 = arith.constant 40 : i32
    return
  }
}

#map = affine_map<(d0, d1) -> (0, 0)>
#map1 = affine_map<(d0, d1) -> (0, 0, 0)>
module attributes {stable_mosaic.version = 14 : i64} {
  func.func @gather_kernel(%arg0: i32, %arg1: i32, %arg2: memref<10240x128xf32, #tpu.memory_space<hbm>>, %arg3: memref<32x40x128xi32, #tpu.memory_space<hbm>>, %arg4: memref<163840x128xf32, #tpu.memory_space<hbm>>, %arg5: memref<40x128xi32, #tpu.memory_space<vmem>>, %arg6: memref<128x128xf32, #tpu.memory_space<vmem>>, %arg7: memref<!tpu.dma_semaphore, #tpu.memory_space<semaphore_mem>>) attributes {dimension_semantics = [#tpu.dimension_semantics<core_parallel>, #tpu.dimension_semantics<subcore_parallel>], iteration_bounds = array<i64: 2, 16>, scalar_prefetch = 0 : i64, scratch_operands = 3 : i64, tpu.core_type = #tpu.core_type<sc_vector_subcore>, window_params = [{transform_indices = #map}, {transform_indices = #map1}, {transform_indices = #map}]} {
    %mul3A = arith.constant 2 : i32
    %mul3A_0 = arith.muli %arg1, %mul3A : i32
    %add3A = arith.addi %mul3A_0, %arg0 : i32
    "tpu.region"() ({
      %run_scoped3A = tpu.sem_alloc : memref<!tpu.dma_semaphore, #tpu.memory_space<semaphore_mem>>
      %dma_start3A = arith.constant 0 : i32
      %dma_start3A_8 = arith.constant 0 : i32
      %dma_start3A_9 = tpu.memref_slice %arg3[%add3A, %dma_start3A, %dma_start3A_8] : memref<32x40x128xi32, #tpu.memory_space<hbm>> -> memref<1x40x128xi32, #tpu.memory_space<hbm>>
      %dma_start3A_10 = tpu.memref_squeeze %dma_start3A_9 : memref<1x40x128xi32, #tpu.memory_space<hbm>> -> memref<40x128xi32, #tpu.memory_space<hbm>>
      %dma_start3A_11 = arith.constant 0 : i32
      %dma_start3A_12 = arith.constant 0 : i32
      %dma_start3A_13 = tpu.memref_slice %arg3[%add3A, %dma_start3A_11, %dma_start3A_12] : memref<32x40x128xi32, #tpu.memory_space<hbm>> -> memref<1x40x128xi32, #tpu.memory_space<hbm>>
      %dma_start3A_14 = tpu.memref_squeeze %dma_start3A_13 : memref<1x40x128xi32, #tpu.memory_space<hbm>> -> memref<40x128xi32, #tpu.memory_space<hbm>>
      tpu.enqueue_dma source(%dma_start3A_14 : memref<40x128xi32, #tpu.memory_space<hbm>>) target(%arg5 : memref<40x128xi32, #tpu.memory_space<vmem>>) target_semaphore(%run_scoped3A : memref<!tpu.dma_semaphore, #tpu.memory_space<semaphore_mem>>)
      %dma_wait3A = arith.constant 0 : i32
      %dma_wait3A_15 = arith.constant 0 : i32
      %dma_wait3A_16 = tpu.memref_slice %arg3[%add3A, %dma_wait3A, %dma_wait3A_15] : memref<32x40x128xi32, #tpu.memory_space<hbm>> -> memref<1x40x128xi32, #tpu.memory_space<hbm>>
      %dma_wait3A_17 = tpu.memref_squeeze %dma_wait3A_16 : memref<1x40x128xi32, #tpu.memory_space<hbm>> -> memref<40x128xi32, #tpu.memory_space<hbm>>
      %dma_wait3A_18 = arith.constant 0 : i32
      %dma_wait3A_19 = arith.constant 0 : i32
      %dma_wait3A_20 = tpu.memref_slice %arg3[%add3A, %dma_wait3A_18, %dma_wait3A_19] : memref<32x40x128xi32, #tpu.memory_space<hbm>> -> memref<1x40x128xi32, #tpu.memory_space<hbm>>
      %dma_wait3A_21 = tpu.memref_squeeze %dma_wait3A_20 : memref<1x40x128xi32, #tpu.memory_space<hbm>> -> memref<40x128xi32, #tpu.memory_space<hbm>>
      tpu.wait_dma2 semaphore(%run_scoped3A : memref<!tpu.dma_semaphore, #tpu.memory_space<semaphore_mem>>) src(%dma_wait3A_21 : memref<40x128xi32, #tpu.memory_space<hbm>>) dst(%arg5 : memref<40x128xi32, #tpu.memory_space<vmem>>)
      tpu.yield
    }) : () -> ()
    %mul3A_1 = arith.constant 5120 : i32
    %mul3A_2 = arith.muli %add3A, %mul3A_1 : i32
    %scan3A = arith.constant 0 : i32
    %scan3A_3 = arith.constant 0 : i32
    %scan3A_4 = arith.constant 40 : i32
    %scan3A_5 = arith.addi %scan3A_3, %scan3A_4 : i32
    %scan3A_6 = arith.constant 1 : i32
    scf.for %scan3A_8 = %scan3A_3 to %scan3A_5 step %scan3A_6  : i32 {
      %dma_start3A = arith.constant 0 : i32
      %dma_start3A_9 = tpu.memref_slice %arg5[%scan3A_8, %dma_start3A] : memref<40x128xi32, #tpu.memory_space<vmem>> -> memref<1x128xi32, #tpu.memory_space<vmem>>
      %dma_start3A_10 = tpu.memref_squeeze %dma_start3A_9 : memref<1x128xi32, #tpu.memory_space<vmem>> -> memref<128xi32, #tpu.memory_space<vmem>>
      %dma_start3A_11 = arith.constant 0 : i32
      %dma_start3A_12 = arith.constant 0 : i32
      %dma_start3A_13 = tpu.memref_slice %arg2[%dma_start3A_11, %dma_start3A_12] : memref<10240x128xf32, #tpu.memory_space<hbm>> -> memref<10240x128xf32, #tpu.memory_space<hbm>>
      tpu.enqueue_indirect_dma source(%dma_start3A_13 : memref<10240x128xf32, #tpu.memory_space<hbm>>) target(%arg6 : memref<128x128xf32, #tpu.memory_space<vmem>>) offsets(%dma_start3A_10 : memref<128xi32, #tpu.memory_space<vmem>>) semaphore(%arg7 : memref<!tpu.dma_semaphore, #tpu.memory_space<semaphore_mem>>)
      %dma_wait3A = arith.constant 0 : i32
      %dma_wait3A_14 = tpu.memref_slice %arg5[%scan3A_8, %dma_wait3A] : memref<40x128xi32, #tpu.memory_space<vmem>> -> memref<1x128xi32, #tpu.memory_space<vmem>>
      %dma_wait3A_15 = tpu.memref_squeeze %dma_wait3A_14 : memref<1x128xi32, #tpu.memory_space<vmem>> -> memref<128xi32, #tpu.memory_space<vmem>>
      %dma_wait3A_16 = arith.constant 0 : i32
      %dma_wait3A_17 = arith.constant 0 : i32
      %dma_wait3A_18 = tpu.memref_slice %arg2[%dma_wait3A_16, %dma_wait3A_17] : memref<10240x128xf32, #tpu.memory_space<hbm>> -> memref<10240x128xf32, #tpu.memory_space<hbm>>
      tpu.wait_indirect_dma semaphore(%arg7 : memref<!tpu.dma_semaphore, #tpu.memory_space<semaphore_mem>>) src(%dma_wait3A_18 : memref<10240x128xf32, #tpu.memory_space<hbm>>) dst(%arg6 : memref<128x128xf32, #tpu.memory_space<vmem>>)
      %mul3A_19 = arith.constant 128 : i32
      %mul3A_20 = arith.muli %scan3A_8, %mul3A_19 : i32
      %add3A_21 = arith.addi %mul3A_2, %mul3A_20 : i32
      "tpu.region"() ({
        %run_scoped3A = tpu.sem_alloc : memref<!tpu.dma_semaphore, #tpu.memory_space<semaphore_mem>>
        %dma_start3A_22 = arith.constant 0 : i32
        %dma_start3A_23 = tpu.memref_slice %arg4[%add3A_21, %dma_start3A_22] : memref<163840x128xf32, #tpu.memory_space<hbm>> -> memref<128x128xf32, #tpu.memory_space<hbm>>
        %dma_start3A_24 = arith.constant 0 : i32
        %dma_start3A_25 = tpu.memref_slice %arg4[%add3A_21, %dma_start3A_24] : memref<163840x128xf32, #tpu.memory_space<hbm>> -> memref<128x128xf32, #tpu.memory_space<hbm>>
        tpu.enqueue_dma source(%arg6 : memref<128x128xf32, #tpu.memory_space<vmem>>) target(%dma_start3A_25 : memref<128x128xf32, #tpu.memory_space<hbm>>) target_semaphore(%run_scoped3A : memref<!tpu.dma_semaphore, #tpu.memory_space<semaphore_mem>>)
        %dma_wait3A_26 = arith.constant 0 : i32
        %dma_wait3A_27 = tpu.memref_slice %arg4[%add3A_21, %dma_wait3A_26] : memref<163840x128xf32, #tpu.memory_space<hbm>> -> memref<128x128xf32, #tpu.memory_space<hbm>>
        %dma_wait3A_28 = arith.constant 0 : i32
        %dma_wait3A_29 = tpu.memref_slice %arg4[%add3A_21, %dma_wait3A_28] : memref<163840x128xf32, #tpu.memory_space<hbm>> -> memref<128x128xf32, #tpu.memory_space<hbm>>
        tpu.wait_dma2 semaphore(%run_scoped3A : memref<!tpu.dma_semaphore, #tpu.memory_space<semaphore_mem>>) src(%arg6 : memref<128x128xf32, #tpu.memory_space<vmem>>) dst(%dma_wait3A_29 : memref<128x128xf32, #tpu.memory_space<hbm>>)
        tpu.yield
      }) : () -> ()
    }
    %scan3A_7 = arith.constant 40 : i32
    return
  }
}

module attributes {stable_mosaic.version = 14 : i64} {
  func.func @_knn_body(%arg0: i32, %arg1: memref<128x16xf32, #tpu.memory_space<vmem>>, %arg2: memref<16x10240xf32, #tpu.memory_space<vmem>>, %arg3: memref<128x16xi32, #tpu.memory_space<vmem>>) attributes {dimension_semantics = [#tpu.dimension_semantics<arbitrary>], iteration_bounds = array<i64: 80>, scalar_prefetch = 0 : i64, scratch_operands = 0 : i64, tpu.core_type = #tpu.core_type<tc>, window_params = [{transform_indices = @transform_0, window_bounds = array<i64: 128, 16>}, {pipeline_mode = #tpu.pipeline_mode<synchronous>, transform_indices = @transform_1, window_bounds = array<i64: 16, 10240>}, {transform_indices = @transform_2, window_bounds = array<i64: 128, 16>}]} {
    %get3A = arith.constant 0 : index
    %get3A_0 = arith.constant 0 : index
    %get3A_1 = vector.load %arg1[%get3A, %get3A_0] : memref<128x16xf32, #tpu.memory_space<vmem>>, vector<128x16xf32>
    %slice3A = vector.extract_strided_slice %get3A_1 {offsets = [0, 0], sizes = [128, 1], strides = [1, 1]} : vector<128x16xf32> to vector<128x1xf32>
    %slice3A_2 = vector.extract_strided_slice %get3A_1 {offsets = [0, 1], sizes = [128, 1], strides = [1, 1]} : vector<128x16xf32> to vector<128x1xf32>
    %slice3A_3 = vector.extract_strided_slice %get3A_1 {offsets = [0, 2], sizes = [128, 1], strides = [1, 1]} : vector<128x16xf32> to vector<128x1xf32>
    %slice3A_4 = vector.extract_strided_slice %get3A_1 {offsets = [0, 6], sizes = [128, 1], strides = [1, 1]} : vector<128x16xf32> to vector<128x1xf32>
    %slice3A_5 = vector.extract_strided_slice %get3A_1 {offsets = [0, 7], sizes = [128, 1], strides = [1, 1]} : vector<128x16xf32> to vector<128x1xf32>
    %iota3A = tpu.iota {dimensions = array<i32: 0>} : vector<128x1xi32>
    %mul3A = arith.constant 128 : i32
    %mul3A_6 = arith.muli %arg0, %mul3A : i32
    %add3A = vector.broadcast %mul3A_6 : i32 to vector<128x1xi32>
    %add3A_7 = arith.addi %iota3A, %add3A : vector<128x1xi32>
    %broadcast_in_dim3A = arith.constant 0x7F800000 : f32
    %broadcast_in_dim3A_8 = vector.broadcast %broadcast_in_dim3A : f32 to vector<128x16xf32>
    %broadcast_in_dim3A_9 = arith.constant 1073741824 : i32
    %broadcast_in_dim3A_10 = vector.broadcast %broadcast_in_dim3A_9 : i32 to vector<128x16xi32>
    %scan3A = arith.constant 0x7F800000 : f32
    %scan3A_11 = arith.constant 0 : i32
    %scan3A_12 = arith.constant 20 : i32
    %scan3A_13 = arith.addi %scan3A_11, %scan3A_12 : i32
    %scan3A_14 = arith.constant 1 : i32
    %scan3A_15:2 = scf.for %scan3A_19 = %scan3A_11 to %scan3A_13 step %scan3A_14 iter_args(%scan3A_20 = %broadcast_in_dim3A_8, %scan3A_21 = %broadcast_in_dim3A_10) -> (vector<128x16xf32>, vector<128x16xi32>)  : i32 {
      %mul3A_22 = arith.constant 512 : i32
      %mul3A_23 = arith.muli %scan3A_19, %mul3A_22 : i32
      %multiple_of3A = tpu.assume_multiple %mul3A_23, 512 : i32
      %get3A_24 = arith.constant 0 : index
      %get3A_25 = arith.index_cast %multiple_of3A : i32 to index
      %get3A_26 = vector.load %arg2[%get3A_24, %get3A_25] : memref<16x10240xf32, #tpu.memory_space<vmem>>, vector<16x512xf32>
      %slice3A_27 = vector.extract_strided_slice %get3A_26 {offsets = [0, 0], sizes = [1, 512], strides = [1, 1]} : vector<16x512xf32> to vector<1x512xf32>
      %slice3A_28 = vector.extract_strided_slice %get3A_26 {offsets = [1, 0], sizes = [1, 512], strides = [1, 1]} : vector<16x512xf32> to vector<1x512xf32>
      %slice3A_29 = vector.extract_strided_slice %get3A_26 {offsets = [2, 0], sizes = [1, 512], strides = [1, 1]} : vector<16x512xf32> to vector<1x512xf32>
      %slice3A_30 = vector.extract_strided_slice %get3A_26 {offsets = [6, 0], sizes = [1, 512], strides = [1, 1]} : vector<16x512xf32> to vector<1x512xf32>
      %slice3A_31 = vector.extract_strided_slice %get3A_26 {offsets = [7, 0], sizes = [1, 512], strides = [1, 1]} : vector<16x512xf32> to vector<1x512xf32>
      %add3A_32 = vector.broadcast %slice3A_5 : vector<128x1xf32> to vector<128x512xf32>
      %add3A_33 = vector.broadcast %slice3A_31 : vector<1x512xf32> to vector<128x512xf32>
      %add3A_34 = arith.addf %add3A_32, %add3A_33 : vector<128x512xf32>
      %mul3A_35 = vector.broadcast %slice3A : vector<128x1xf32> to vector<128x512xf32>
      %mul3A_36 = vector.broadcast %slice3A_27 : vector<1x512xf32> to vector<128x512xf32>
      %mul3A_37 = arith.mulf %mul3A_35, %mul3A_36 : vector<128x512xf32>
      %mul3A_38 = vector.broadcast %slice3A_2 : vector<128x1xf32> to vector<128x512xf32>
      %mul3A_39 = vector.broadcast %slice3A_28 : vector<1x512xf32> to vector<128x512xf32>
      %mul3A_40 = arith.mulf %mul3A_38, %mul3A_39 : vector<128x512xf32>
      %add3A_41 = arith.addf %mul3A_37, %mul3A_40 : vector<128x512xf32>
      %mul3A_42 = vector.broadcast %slice3A_3 : vector<128x1xf32> to vector<128x512xf32>
      %mul3A_43 = vector.broadcast %slice3A_29 : vector<1x512xf32> to vector<128x512xf32>
      %mul3A_44 = arith.mulf %mul3A_42, %mul3A_43 : vector<128x512xf32>
      %add3A_45 = arith.addf %add3A_41, %mul3A_44 : vector<128x512xf32>
      %mul3A_46 = arith.constant 2.000000e+00 : f32
      %mul3A_47 = vector.broadcast %mul3A_46 : f32 to vector<128x512xf32>
      %mul3A_48 = arith.mulf %mul3A_47, %add3A_45 : vector<128x512xf32>
      %sub3A = arith.subf %add3A_34, %mul3A_48 : vector<128x512xf32>
      %iota3A_49 = tpu.iota {dimensions = array<i32: 1>} : vector<1x512xi32>
      %add3A_50 = vector.broadcast %multiple_of3A : i32 to vector<1x512xi32>
      %add3A_51 = arith.addi %iota3A_49, %add3A_50 : vector<1x512xi32>
      %ne3A = vector.broadcast %slice3A_4 : vector<128x1xf32> to vector<128x512xf32>
      %ne3A_52 = vector.broadcast %slice3A_30 : vector<1x512xf32> to vector<128x512xf32>
      %ne3A_53 = arith.cmpf one, %ne3A, %ne3A_52 : vector<128x512xf32>
      %eq3A = vector.broadcast %add3A_7 : vector<128x1xi32> to vector<128x512xi32>
      %eq3A_54 = vector.broadcast %add3A_51 : vector<1x512xi32> to vector<128x512xi32>
      %eq3A_55 = arith.cmpi eq, %eq3A, %eq3A_54 : vector<128x512xi32>
      %or3A = arith.ori %ne3A_53, %eq3A_55 : vector<128x512xi1>
      %broadcast_in_dim3A_56 = vector.broadcast %scan3A : f32 to vector<128x512xf32>
      %select_n3A = arith.select %or3A, %broadcast_in_dim3A_56, %sub3A : vector<128x512xi1>, vector<128x512xf32>
      %concatenate3A = tpu.concatenate %scan3A_20, %select_n3A in 1 : vector<128x16xf32>, vector<128x512xf32> -> vector<128x528xf32>
      %broadcast_in_dim3A_57 = vector.shape_cast %add3A_51 : vector<1x512xi32> to vector<1x512xi32>
      %broadcast_in_dim3A_58 = vector.broadcast %broadcast_in_dim3A_57 : vector<1x512xi32> to vector<128x512xi32>
      %concatenate3A_59 = tpu.concatenate %scan3A_21, %broadcast_in_dim3A_58 in 1 : vector<128x16xi32>, vector<128x512xi32> -> vector<128x528xi32>
      %reduce_min3A = arith.constant dense<0x7F800000> : vector<128xf32>
      %reduce_min3A_60 = vector.multi_reduction <minimumf>, %concatenate3A, %reduce_min3A [1] : vector<128x528xf32> to vector<128xf32>
      %broadcast_in_dim3A_61 = vector.shape_cast %reduce_min3A_60 : vector<128xf32> to vector<128x1xf32>
      %eq3A_62 = vector.broadcast %broadcast_in_dim3A_61 : vector<128x1xf32> to vector<128x528xf32>
      %eq3A_63 = arith.cmpf oeq, %concatenate3A, %eq3A_62 : vector<128x528xf32>
      %jit3A = arith.constant 1073741824 : i32
      %broadcast_in_dim3A_64 = vector.broadcast %jit3A : i32 to vector<128x528xi32>
      %select_n3A_65 = arith.select %eq3A_63, %concatenate3A_59, %broadcast_in_dim3A_64 : vector<128x528xi1>, vector<128x528xi32>
      %reduce_min3A_66 = arith.constant dense<2147483647> : vector<128xi32>
      %reduce_min3A_67 = vector.multi_reduction <minsi>, %select_n3A_65, %reduce_min3A_66 [1] : vector<128x528xi32> to vector<128xi32>
      %broadcast_in_dim3A_68 = vector.shape_cast %reduce_min3A_67 : vector<128xi32> to vector<128x1xi32>
      %eq3A_69 = vector.broadcast %broadcast_in_dim3A_68 : vector<128x1xi32> to vector<128x528xi32>
      %eq3A_70 = arith.cmpi eq, %concatenate3A_59, %eq3A_69 : vector<128x528xi32>
      %and3A = arith.andi %eq3A_63, %eq3A_70 : vector<128x528xi1>
      %broadcast_in_dim3A_71 = vector.broadcast %scan3A : f32 to vector<128x528xf32>
      %select_n3A_72 = arith.select %and3A, %broadcast_in_dim3A_71, %concatenate3A : vector<128x528xi1>, vector<128x528xf32>
      %reduce_min3A_73 = arith.constant dense<0x7F800000> : vector<128xf32>
      %reduce_min3A_74 = vector.multi_reduction <minimumf>, %select_n3A_72, %reduce_min3A_73 [1] : vector<128x528xf32> to vector<128xf32>
      %broadcast_in_dim3A_75 = vector.shape_cast %reduce_min3A_74 : vector<128xf32> to vector<128x1xf32>
      %eq3A_76 = vector.broadcast %broadcast_in_dim3A_75 : vector<128x1xf32> to vector<128x528xf32>
      %eq3A_77 = arith.cmpf oeq, %select_n3A_72, %eq3A_76 : vector<128x528xf32>
      %jit3A_78 = arith.constant 1073741824 : i32
      %broadcast_in_dim3A_79 = vector.broadcast %jit3A_78 : i32 to vector<128x528xi32>
      %select_n3A_80 = arith.select %eq3A_77, %concatenate3A_59, %broadcast_in_dim3A_79 : vector<128x528xi1>, vector<128x528xi32>
      %reduce_min3A_81 = arith.constant dense<2147483647> : vector<128xi32>
      %reduce_min3A_82 = vector.multi_reduction <minsi>, %select_n3A_80, %reduce_min3A_81 [1] : vector<128x528xi32> to vector<128xi32>
      %broadcast_in_dim3A_83 = vector.shape_cast %reduce_min3A_82 : vector<128xi32> to vector<128x1xi32>
      %eq3A_84 = vector.broadcast %broadcast_in_dim3A_83 : vector<128x1xi32> to vector<128x528xi32>
      %eq3A_85 = arith.cmpi eq, %concatenate3A_59, %eq3A_84 : vector<128x528xi32>
      %and3A_86 = arith.andi %eq3A_77, %eq3A_85 : vector<128x528xi1>
      %broadcast_in_dim3A_87 = vector.broadcast %scan3A : f32 to vector<128x528xf32>
      %select_n3A_88 = arith.select %and3A_86, %broadcast_in_dim3A_87, %select_n3A_72 : vector<128x528xi1>, vector<128x528xf32>
      %reduce_min3A_89 = arith.constant dense<0x7F800000> : vector<128xf32>
      %reduce_min3A_90 = vector.multi_reduction <minimumf>, %select_n3A_88, %reduce_min3A_89 [1] : vector<128x528xf32> to vector<128xf32>
      %broadcast_in_dim3A_91 = vector.shape_cast %reduce_min3A_90 : vector<128xf32> to vector<128x1xf32>
      %eq3A_92 = vector.broadcast %broadcast_in_dim3A_91 : vector<128x1xf32> to vector<128x528xf32>
      %eq3A_93 = arith.cmpf oeq, %select_n3A_88, %eq3A_92 : vector<128x528xf32>
      %jit3A_94 = arith.constant 1073741824 : i32
      %broadcast_in_dim3A_95 = vector.broadcast %jit3A_94 : i32 to vector<128x528xi32>
      %select_n3A_96 = arith.select %eq3A_93, %concatenate3A_59, %broadcast_in_dim3A_95 : vector<128x528xi1>, vector<128x528xi32>
      %reduce_min3A_97 = arith.constant dense<2147483647> : vector<128xi32>
      %reduce_min3A_98 = vector.multi_reduction <minsi>, %select_n3A_96, %reduce_min3A_97 [1] : vector<128x528xi32> to vector<128xi32>
      %broadcast_in_dim3A_99 = vector.shape_cast %reduce_min3A_98 : vector<128xi32> to vector<128x1xi32>
      %eq3A_100 = vector.broadcast %broadcast_in_dim3A_99 : vector<128x1xi32> to vector<128x528xi32>
      %eq3A_101 = arith.cmpi eq, %concatenate3A_59, %eq3A_100 : vector<128x528xi32>
      %and3A_102 = arith.andi %eq3A_93, %eq3A_101 : vector<128x528xi1>
      %broadcast_in_dim3A_103 = vector.broadcast %scan3A : f32 to vector<128x528xf32>
      %select_n3A_104 = arith.select %and3A_102, %broadcast_in_dim3A_103, %select_n3A_88 : vector<128x528xi1>, vector<128x528xf32>
      %reduce_min3A_105 = arith.constant dense<0x7F800000> : vector<128xf32>
      %reduce_min3A_106 = vector.multi_reduction <minimumf>, %select_n3A_104, %reduce_min3A_105 [1] : vector<128x528xf32> to vector<128xf32>
      %broadcast_in_dim3A_107 = vector.shape_cast %reduce_min3A_106 : vector<128xf32> to vector<128x1xf32>
      %eq3A_108 = vector.broadcast %broadcast_in_dim3A_107 : vector<128x1xf32> to vector<128x528xf32>
      %eq3A_109 = arith.cmpf oeq, %select_n3A_104, %eq3A_108 : vector<128x528xf32>
      %jit3A_110 = arith.constant 1073741824 : i32
      %broadcast_in_dim3A_111 = vector.broadcast %jit3A_110 : i32 to vector<128x528xi32>
      %select_n3A_112 = arith.select %eq3A_109, %concatenate3A_59, %broadcast_in_dim3A_111 : vector<128x528xi1>, vector<128x528xi32>
      %reduce_min3A_113 = arith.constant dense<2147483647> : vector<128xi32>
      %reduce_min3A_114 = vector.multi_reduction <minsi>, %select_n3A_112, %reduce_min3A_113 [1] : vector<128x528xi32> to vector<128xi32>
      %broadcast_in_dim3A_115 = vector.shape_cast %reduce_min3A_114 : vector<128xi32> to vector<128x1xi32>
      %eq3A_116 = vector.broadcast %broadcast_in_dim3A_115 : vector<128x1xi32> to vector<128x528xi32>
      %eq3A_117 = arith.cmpi eq, %concatenate3A_59, %eq3A_116 : vector<128x528xi32>
      %and3A_118 = arith.andi %eq3A_109, %eq3A_117 : vector<128x528xi1>
      %broadcast_in_dim3A_119 = vector.broadcast %scan3A : f32 to vector<128x528xf32>
      %select_n3A_120 = arith.select %and3A_118, %broadcast_in_dim3A_119, %select_n3A_104 : vector<128x528xi1>, vector<128x528xf32>
      %reduce_min3A_121 = arith.constant dense<0x7F800000> : vector<128xf32>
      %reduce_min3A_122 = vector.multi_reduction <minimumf>, %select_n3A_120, %reduce_min3A_121 [1] : vector<128x528xf32> to vector<128xf32>
      %broadcast_in_dim3A_123 = vector.shape_cast %reduce_min3A_122 : vector<128xf32> to vector<128x1xf32>
      %eq3A_124 = vector.broadcast %broadcast_in_dim3A_123 : vector<128x1xf32> to vector<128x528xf32>
      %eq3A_125 = arith.cmpf oeq, %select_n3A_120, %eq3A_124 : vector<128x528xf32>
      %jit3A_126 = arith.constant 1073741824 : i32
      %broadcast_in_dim3A_127 = vector.broadcast %jit3A_126 : i32 to vector<128x528xi32>
      %select_n3A_128 = arith.select %eq3A_125, %concatenate3A_59, %broadcast_in_dim3A_127 : vector<128x528xi1>, vector<128x528xi32>
      %reduce_min3A_129 = arith.constant dense<2147483647> : vector<128xi32>
      %reduce_min3A_130 = vector.multi_reduction <minsi>, %select_n3A_128, %reduce_min3A_129 [1] : vector<128x528xi32> to vector<128xi32>
      %broadcast_in_dim3A_131 = vector.shape_cast %reduce_min3A_130 : vector<128xi32> to vector<128x1xi32>
      %eq3A_132 = vector.broadcast %broadcast_in_dim3A_131 : vector<128x1xi32> to vector<128x528xi32>
      %eq3A_133 = arith.cmpi eq, %concatenate3A_59, %eq3A_132 : vector<128x528xi32>
      %and3A_134 = arith.andi %eq3A_125, %eq3A_133 : vector<128x528xi1>
      %broadcast_in_dim3A_135 = vector.broadcast %scan3A : f32 to vector<128x528xf32>
      %select_n3A_136 = arith.select %and3A_134, %broadcast_in_dim3A_135, %select_n3A_120 : vector<128x528xi1>, vector<128x528xf32>
      %reduce_min3A_137 = arith.constant dense<0x7F800000> : vector<128xf32>
      %reduce_min3A_138 = vector.multi_reduction <minimumf>, %select_n3A_136, %reduce_min3A_137 [1] : vector<128x528xf32> to vector<128xf32>
      %broadcast_in_dim3A_139 = vector.shape_cast %reduce_min3A_138 : vector<128xf32> to vector<128x1xf32>
      %eq3A_140 = vector.broadcast %broadcast_in_dim3A_139 : vector<128x1xf32> to vector<128x528xf32>
      %eq3A_141 = arith.cmpf oeq, %select_n3A_136, %eq3A_140 : vector<128x528xf32>
      %jit3A_142 = arith.constant 1073741824 : i32
      %broadcast_in_dim3A_143 = vector.broadcast %jit3A_142 : i32 to vector<128x528xi32>
      %select_n3A_144 = arith.select %eq3A_141, %concatenate3A_59, %broadcast_in_dim3A_143 : vector<128x528xi1>, vector<128x528xi32>
      %reduce_min3A_145 = arith.constant dense<2147483647> : vector<128xi32>
      %reduce_min3A_146 = vector.multi_reduction <minsi>, %select_n3A_144, %reduce_min3A_145 [1] : vector<128x528xi32> to vector<128xi32>
      %broadcast_in_dim3A_147 = vector.shape_cast %reduce_min3A_146 : vector<128xi32> to vector<128x1xi32>
      %eq3A_148 = vector.broadcast %broadcast_in_dim3A_147 : vector<128x1xi32> to vector<128x528xi32>
      %eq3A_149 = arith.cmpi eq, %concatenate3A_59, %eq3A_148 : vector<128x528xi32>
      %and3A_150 = arith.andi %eq3A_141, %eq3A_149 : vector<128x528xi1>
      %broadcast_in_dim3A_151 = vector.broadcast %scan3A : f32 to vector<128x528xf32>
      %select_n3A_152 = arith.select %and3A_150, %broadcast_in_dim3A_151, %select_n3A_136 : vector<128x528xi1>, vector<128x528xf32>
      %reduce_min3A_153 = arith.constant dense<0x7F800000> : vector<128xf32>
      %reduce_min3A_154 = vector.multi_reduction <minimumf>, %select_n3A_152, %reduce_min3A_153 [1] : vector<128x528xf32> to vector<128xf32>
      %broadcast_in_dim3A_155 = vector.shape_cast %reduce_min3A_154 : vector<128xf32> to vector<128x1xf32>
      %eq3A_156 = vector.broadcast %broadcast_in_dim3A_155 : vector<128x1xf32> to vector<128x528xf32>
      %eq3A_157 = arith.cmpf oeq, %select_n3A_152, %eq3A_156 : vector<128x528xf32>
      %jit3A_158 = arith.constant 1073741824 : i32
      %broadcast_in_dim3A_159 = vector.broadcast %jit3A_158 : i32 to vector<128x528xi32>
      %select_n3A_160 = arith.select %eq3A_157, %concatenate3A_59, %broadcast_in_dim3A_159 : vector<128x528xi1>, vector<128x528xi32>
      %reduce_min3A_161 = arith.constant dense<2147483647> : vector<128xi32>
      %reduce_min3A_162 = vector.multi_reduction <minsi>, %select_n3A_160, %reduce_min3A_161 [1] : vector<128x528xi32> to vector<128xi32>
      %broadcast_in_dim3A_163 = vector.shape_cast %reduce_min3A_162 : vector<128xi32> to vector<128x1xi32>
      %eq3A_164 = vector.broadcast %broadcast_in_dim3A_163 : vector<128x1xi32> to vector<128x528xi32>
      %eq3A_165 = arith.cmpi eq, %concatenate3A_59, %eq3A_164 : vector<128x528xi32>
      %and3A_166 = arith.andi %eq3A_157, %eq3A_165 : vector<128x528xi1>
      %broadcast_in_dim3A_167 = vector.broadcast %scan3A : f32 to vector<128x528xf32>
      %select_n3A_168 = arith.select %and3A_166, %broadcast_in_dim3A_167, %select_n3A_152 : vector<128x528xi1>, vector<128x528xf32>
      %reduce_min3A_169 = arith.constant dense<0x7F800000> : vector<128xf32>
      %reduce_min3A_170 = vector.multi_reduction <minimumf>, %select_n3A_168, %reduce_min3A_169 [1] : vector<128x528xf32> to vector<128xf32>
      %broadcast_in_dim3A_171 = vector.shape_cast %reduce_min3A_170 : vector<128xf32> to vector<128x1xf32>
      %eq3A_172 = vector.broadcast %broadcast_in_dim3A_171 : vector<128x1xf32> to vector<128x528xf32>
      %eq3A_173 = arith.cmpf oeq, %select_n3A_168, %eq3A_172 : vector<128x528xf32>
      %jit3A_174 = arith.constant 1073741824 : i32
      %broadcast_in_dim3A_175 = vector.broadcast %jit3A_174 : i32 to vector<128x528xi32>
      %select_n3A_176 = arith.select %eq3A_173, %concatenate3A_59, %broadcast_in_dim3A_175 : vector<128x528xi1>, vector<128x528xi32>
      %reduce_min3A_177 = arith.constant dense<2147483647> : vector<128xi32>
      %reduce_min3A_178 = vector.multi_reduction <minsi>, %select_n3A_176, %reduce_min3A_177 [1] : vector<128x528xi32> to vector<128xi32>
      %broadcast_in_dim3A_179 = vector.shape_cast %reduce_min3A_178 : vector<128xi32> to vector<128x1xi32>
      %eq3A_180 = vector.broadcast %broadcast_in_dim3A_179 : vector<128x1xi32> to vector<128x528xi32>
      %eq3A_181 = arith.cmpi eq, %concatenate3A_59, %eq3A_180 : vector<128x528xi32>
      %and3A_182 = arith.andi %eq3A_173, %eq3A_181 : vector<128x528xi1>
      %broadcast_in_dim3A_183 = vector.broadcast %scan3A : f32 to vector<128x528xf32>
      %select_n3A_184 = arith.select %and3A_182, %broadcast_in_dim3A_183, %select_n3A_168 : vector<128x528xi1>, vector<128x528xf32>
      %reduce_min3A_185 = arith.constant dense<0x7F800000> : vector<128xf32>
      %reduce_min3A_186 = vector.multi_reduction <minimumf>, %select_n3A_184, %reduce_min3A_185 [1] : vector<128x528xf32> to vector<128xf32>
      %broadcast_in_dim3A_187 = vector.shape_cast %reduce_min3A_186 : vector<128xf32> to vector<128x1xf32>
      %eq3A_188 = vector.broadcast %broadcast_in_dim3A_187 : vector<128x1xf32> to vector<128x528xf32>
      %eq3A_189 = arith.cmpf oeq, %select_n3A_184, %eq3A_188 : vector<128x528xf32>
      %jit3A_190 = arith.constant 1073741824 : i32
      %broadcast_in_dim3A_191 = vector.broadcast %jit3A_190 : i32 to vector<128x528xi32>
      %select_n3A_192 = arith.select %eq3A_189, %concatenate3A_59, %broadcast_in_dim3A_191 : vector<128x528xi1>, vector<128x528xi32>
      %reduce_min3A_193 = arith.constant dense<2147483647> : vector<128xi32>
      %reduce_min3A_194 = vector.multi_reduction <minsi>, %select_n3A_192, %reduce_min3A_193 [1] : vector<128x528xi32> to vector<128xi32>
      %broadcast_in_dim3A_195 = vector.shape_cast %reduce_min3A_194 : vector<128xi32> to vector<128x1xi32>
      %eq3A_196 = vector.broadcast %broadcast_in_dim3A_195 : vector<128x1xi32> to vector<128x528xi32>
      %eq3A_197 = arith.cmpi eq, %concatenate3A_59, %eq3A_196 : vector<128x528xi32>
      %and3A_198 = arith.andi %eq3A_189, %eq3A_197 : vector<128x528xi1>
      %broadcast_in_dim3A_199 = vector.broadcast %scan3A : f32 to vector<128x528xf32>
      %select_n3A_200 = arith.select %and3A_198, %broadcast_in_dim3A_199, %select_n3A_184 : vector<128x528xi1>, vector<128x528xf32>
      %reduce_min3A_201 = arith.constant dense<0x7F800000> : vector<128xf32>
      %reduce_min3A_202 = vector.multi_reduction <minimumf>, %select_n3A_200, %reduce_min3A_201 [1] : vector<128x528xf32> to vector<128xf32>
      %broadcast_in_dim3A_203 = vector.shape_cast %reduce_min3A_202 : vector<128xf32> to vector<128x1xf32>
      %eq3A_204 = vector.broadcast %broadcast_in_dim3A_203 : vector<128x1xf32> to vector<128x528xf32>
      %eq3A_205 = arith.cmpf oeq, %select_n3A_200, %eq3A_204 : vector<128x528xf32>
      %jit3A_206 = arith.constant 1073741824 : i32
      %broadcast_in_dim3A_207 = vector.broadcast %jit3A_206 : i32 to vector<128x528xi32>
      %select_n3A_208 = arith.select %eq3A_205, %concatenate3A_59, %broadcast_in_dim3A_207 : vector<128x528xi1>, vector<128x528xi32>
      %reduce_min3A_209 = arith.constant dense<2147483647> : vector<128xi32>
      %reduce_min3A_210 = vector.multi_reduction <minsi>, %select_n3A_208, %reduce_min3A_209 [1] : vector<128x528xi32> to vector<128xi32>
      %broadcast_in_dim3A_211 = vector.shape_cast %reduce_min3A_210 : vector<128xi32> to vector<128x1xi32>
      %eq3A_212 = vector.broadcast %broadcast_in_dim3A_211 : vector<128x1xi32> to vector<128x528xi32>
      %eq3A_213 = arith.cmpi eq, %concatenate3A_59, %eq3A_212 : vector<128x528xi32>
      %and3A_214 = arith.andi %eq3A_205, %eq3A_213 : vector<128x528xi1>
      %broadcast_in_dim3A_215 = vector.broadcast %scan3A : f32 to vector<128x528xf32>
      %select_n3A_216 = arith.select %and3A_214, %broadcast_in_dim3A_215, %select_n3A_200 : vector<128x528xi1>, vector<128x528xf32>
      %reduce_min3A_217 = arith.constant dense<0x7F800000> : vector<128xf32>
      %reduce_min3A_218 = vector.multi_reduction <minimumf>, %select_n3A_216, %reduce_min3A_217 [1] : vector<128x528xf32> to vector<128xf32>
      %broadcast_in_dim3A_219 = vector.shape_cast %reduce_min3A_218 : vector<128xf32> to vector<128x1xf32>
      %eq3A_220 = vector.broadcast %broadcast_in_dim3A_219 : vector<128x1xf32> to vector<128x528xf32>
      %eq3A_221 = arith.cmpf oeq, %select_n3A_216, %eq3A_220 : vector<128x528xf32>
      %jit3A_222 = arith.constant 1073741824 : i32
      %broadcast_in_dim3A_223 = vector.broadcast %jit3A_222 : i32 to vector<128x528xi32>
      %select_n3A_224 = arith.select %eq3A_221, %concatenate3A_59, %broadcast_in_dim3A_223 : vector<128x528xi1>, vector<128x528xi32>
      %reduce_min3A_225 = arith.constant dense<2147483647> : vector<128xi32>
      %reduce_min3A_226 = vector.multi_reduction <minsi>, %select_n3A_224, %reduce_min3A_225 [1] : vector<128x528xi32> to vector<128xi32>
      %broadcast_in_dim3A_227 = vector.shape_cast %reduce_min3A_226 : vector<128xi32> to vector<128x1xi32>
      %eq3A_228 = vector.broadcast %broadcast_in_dim3A_227 : vector<128x1xi32> to vector<128x528xi32>
      %eq3A_229 = arith.cmpi eq, %concatenate3A_59, %eq3A_228 : vector<128x528xi32>
      %and3A_230 = arith.andi %eq3A_221, %eq3A_229 : vector<128x528xi1>
      %broadcast_in_dim3A_231 = vector.broadcast %scan3A : f32 to vector<128x528xf32>
      %select_n3A_232 = arith.select %and3A_230, %broadcast_in_dim3A_231, %select_n3A_216 : vector<128x528xi1>, vector<128x528xf32>
      %reduce_min3A_233 = arith.constant dense<0x7F800000> : vector<128xf32>
      %reduce_min3A_234 = vector.multi_reduction <minimumf>, %select_n3A_232, %reduce_min3A_233 [1] : vector<128x528xf32> to vector<128xf32>
      %broadcast_in_dim3A_235 = vector.shape_cast %reduce_min3A_234 : vector<128xf32> to vector<128x1xf32>
      %eq3A_236 = vector.broadcast %broadcast_in_dim3A_235 : vector<128x1xf32> to vector<128x528xf32>
      %eq3A_237 = arith.cmpf oeq, %select_n3A_232, %eq3A_236 : vector<128x528xf32>
      %jit3A_238 = arith.constant 1073741824 : i32
      %broadcast_in_dim3A_239 = vector.broadcast %jit3A_238 : i32 to vector<128x528xi32>
      %select_n3A_240 = arith.select %eq3A_237, %concatenate3A_59, %broadcast_in_dim3A_239 : vector<128x528xi1>, vector<128x528xi32>
      %reduce_min3A_241 = arith.constant dense<2147483647> : vector<128xi32>
      %reduce_min3A_242 = vector.multi_reduction <minsi>, %select_n3A_240, %reduce_min3A_241 [1] : vector<128x528xi32> to vector<128xi32>
      %broadcast_in_dim3A_243 = vector.shape_cast %reduce_min3A_242 : vector<128xi32> to vector<128x1xi32>
      %eq3A_244 = vector.broadcast %broadcast_in_dim3A_243 : vector<128x1xi32> to vector<128x528xi32>
      %eq3A_245 = arith.cmpi eq, %concatenate3A_59, %eq3A_244 : vector<128x528xi32>
      %and3A_246 = arith.andi %eq3A_237, %eq3A_245 : vector<128x528xi1>
      %broadcast_in_dim3A_247 = vector.broadcast %scan3A : f32 to vector<128x528xf32>
      %select_n3A_248 = arith.select %and3A_246, %broadcast_in_dim3A_247, %select_n3A_232 : vector<128x528xi1>, vector<128x528xf32>
      %reduce_min3A_249 = arith.constant dense<0x7F800000> : vector<128xf32>
      %reduce_min3A_250 = vector.multi_reduction <minimumf>, %select_n3A_248, %reduce_min3A_249 [1] : vector<128x528xf32> to vector<128xf32>
      %broadcast_in_dim3A_251 = vector.shape_cast %reduce_min3A_250 : vector<128xf32> to vector<128x1xf32>
      %eq3A_252 = vector.broadcast %broadcast_in_dim3A_251 : vector<128x1xf32> to vector<128x528xf32>
      %eq3A_253 = arith.cmpf oeq, %select_n3A_248, %eq3A_252 : vector<128x528xf32>
      %jit3A_254 = arith.constant 1073741824 : i32
      %broadcast_in_dim3A_255 = vector.broadcast %jit3A_254 : i32 to vector<128x528xi32>
      %select_n3A_256 = arith.select %eq3A_253, %concatenate3A_59, %broadcast_in_dim3A_255 : vector<128x528xi1>, vector<128x528xi32>
      %reduce_min3A_257 = arith.constant dense<2147483647> : vector<128xi32>
      %reduce_min3A_258 = vector.multi_reduction <minsi>, %select_n3A_256, %reduce_min3A_257 [1] : vector<128x528xi32> to vector<128xi32>
      %broadcast_in_dim3A_259 = vector.shape_cast %reduce_min3A_258 : vector<128xi32> to vector<128x1xi32>
      %eq3A_260 = vector.broadcast %broadcast_in_dim3A_259 : vector<128x1xi32> to vector<128x528xi32>
      %eq3A_261 = arith.cmpi eq, %concatenate3A_59, %eq3A_260 : vector<128x528xi32>
      %and3A_262 = arith.andi %eq3A_253, %eq3A_261 : vector<128x528xi1>
      %broadcast_in_dim3A_263 = vector.broadcast %scan3A : f32 to vector<128x528xf32>
      %select_n3A_264 = arith.select %and3A_262, %broadcast_in_dim3A_263, %select_n3A_248 : vector<128x528xi1>, vector<128x528xf32>
      %reduce_min3A_265 = arith.constant dense<0x7F800000> : vector<128xf32>
      %reduce_min3A_266 = vector.multi_reduction <minimumf>, %select_n3A_264, %reduce_min3A_265 [1] : vector<128x528xf32> to vector<128xf32>
      %broadcast_in_dim3A_267 = vector.shape_cast %reduce_min3A_266 : vector<128xf32> to vector<128x1xf32>
      %eq3A_268 = vector.broadcast %broadcast_in_dim3A_267 : vector<128x1xf32> to vector<128x528xf32>
      %eq3A_269 = arith.cmpf oeq, %select_n3A_264, %eq3A_268 : vector<128x528xf32>
      %jit3A_270 = arith.constant 1073741824 : i32
      %broadcast_in_dim3A_271 = vector.broadcast %jit3A_270 : i32 to vector<128x528xi32>
      %select_n3A_272 = arith.select %eq3A_269, %concatenate3A_59, %broadcast_in_dim3A_271 : vector<128x528xi1>, vector<128x528xi32>
      %reduce_min3A_273 = arith.constant dense<2147483647> : vector<128xi32>
      %reduce_min3A_274 = vector.multi_reduction <minsi>, %select_n3A_272, %reduce_min3A_273 [1] : vector<128x528xi32> to vector<128xi32>
      %broadcast_in_dim3A_275 = vector.shape_cast %reduce_min3A_274 : vector<128xi32> to vector<128x1xi32>
      %eq3A_276 = vector.broadcast %broadcast_in_dim3A_275 : vector<128x1xi32> to vector<128x528xi32>
      %eq3A_277 = arith.cmpi eq, %concatenate3A_59, %eq3A_276 : vector<128x528xi32>
      %and3A_278 = arith.andi %eq3A_269, %eq3A_277 : vector<128x528xi1>
      %broadcast_in_dim3A_279 = vector.broadcast %scan3A : f32 to vector<128x528xf32>
      %select_n3A_280 = arith.select %and3A_278, %broadcast_in_dim3A_279, %select_n3A_264 : vector<128x528xi1>, vector<128x528xf32>
      %reduce_min3A_281 = arith.constant dense<0x7F800000> : vector<128xf32>
      %reduce_min3A_282 = vector.multi_reduction <minimumf>, %select_n3A_280, %reduce_min3A_281 [1] : vector<128x528xf32> to vector<128xf32>
      %broadcast_in_dim3A_283 = vector.shape_cast %reduce_min3A_282 : vector<128xf32> to vector<128x1xf32>
      %eq3A_284 = vector.broadcast %broadcast_in_dim3A_283 : vector<128x1xf32> to vector<128x528xf32>
      %eq3A_285 = arith.cmpf oeq, %select_n3A_280, %eq3A_284 : vector<128x528xf32>
      %jit3A_286 = arith.constant 1073741824 : i32
      %broadcast_in_dim3A_287 = vector.broadcast %jit3A_286 : i32 to vector<128x528xi32>
      %select_n3A_288 = arith.select %eq3A_285, %concatenate3A_59, %broadcast_in_dim3A_287 : vector<128x528xi1>, vector<128x528xi32>
      %reduce_min3A_289 = arith.constant dense<2147483647> : vector<128xi32>
      %reduce_min3A_290 = vector.multi_reduction <minsi>, %select_n3A_288, %reduce_min3A_289 [1] : vector<128x528xi32> to vector<128xi32>
      %broadcast_in_dim3A_291 = vector.shape_cast %reduce_min3A_290 : vector<128xi32> to vector<128x1xi32>
      %eq3A_292 = vector.broadcast %broadcast_in_dim3A_291 : vector<128x1xi32> to vector<128x528xi32>
      %eq3A_293 = arith.cmpi eq, %concatenate3A_59, %eq3A_292 : vector<128x528xi32>
      %and3A_294 = arith.andi %eq3A_285, %eq3A_293 : vector<128x528xi1>
      %broadcast_in_dim3A_295 = vector.broadcast %scan3A : f32 to vector<128x528xf32>
      %select_n3A_296 = arith.select %and3A_294, %broadcast_in_dim3A_295, %select_n3A_280 : vector<128x528xi1>, vector<128x528xf32>
      %reduce_min3A_297 = arith.constant dense<0x7F800000> : vector<128xf32>
      %reduce_min3A_298 = vector.multi_reduction <minimumf>, %select_n3A_296, %reduce_min3A_297 [1] : vector<128x528xf32> to vector<128xf32>
      %broadcast_in_dim3A_299 = vector.shape_cast %reduce_min3A_298 : vector<128xf32> to vector<128x1xf32>
      %eq3A_300 = vector.broadcast %broadcast_in_dim3A_299 : vector<128x1xf32> to vector<128x528xf32>
      %eq3A_301 = arith.cmpf oeq, %select_n3A_296, %eq3A_300 : vector<128x528xf32>
      %jit3A_302 = arith.constant 1073741824 : i32
      %broadcast_in_dim3A_303 = vector.broadcast %jit3A_302 : i32 to vector<128x528xi32>
      %select_n3A_304 = arith.select %eq3A_301, %concatenate3A_59, %broadcast_in_dim3A_303 : vector<128x528xi1>, vector<128x528xi32>
      %reduce_min3A_305 = arith.constant dense<2147483647> : vector<128xi32>
      %reduce_min3A_306 = vector.multi_reduction <minsi>, %select_n3A_304, %reduce_min3A_305 [1] : vector<128x528xi32> to vector<128xi32>
      %broadcast_in_dim3A_307 = vector.shape_cast %reduce_min3A_306 : vector<128xi32> to vector<128x1xi32>
      %concatenate3A_308 = tpu.concatenate %broadcast_in_dim3A_61, %broadcast_in_dim3A_75, %broadcast_in_dim3A_91, %broadcast_in_dim3A_107, %broadcast_in_dim3A_123, %broadcast_in_dim3A_139, %broadcast_in_dim3A_155, %broadcast_in_dim3A_171, %broadcast_in_dim3A_187, %broadcast_in_dim3A_203, %broadcast_in_dim3A_219, %broadcast_in_dim3A_235, %broadcast_in_dim3A_251, %broadcast_in_dim3A_267, %broadcast_in_dim3A_283, %broadcast_in_dim3A_299 in 1 : vector<128x1xf32>, vector<128x1xf32>, vector<128x1xf32>, vector<128x1xf32>, vector<128x1xf32>, vector<128x1xf32>, vector<128x1xf32>, vector<128x1xf32>, vector<128x1xf32>, vector<128x1xf32>, vector<128x1xf32>, vector<128x1xf32>, vector<128x1xf32>, vector<128x1xf32>, vector<128x1xf32>, vector<128x1xf32> -> vector<128x16xf32>
      %concatenate3A_309 = tpu.concatenate %broadcast_in_dim3A_68, %broadcast_in_dim3A_83, %broadcast_in_dim3A_99, %broadcast_in_dim3A_115, %broadcast_in_dim3A_131, %broadcast_in_dim3A_147, %broadcast_in_dim3A_163, %broadcast_in_dim3A_179, %broadcast_in_dim3A_195, %broadcast_in_dim3A_211, %broadcast_in_dim3A_227, %broadcast_in_dim3A_243, %broadcast_in_dim3A_259, %broadcast_in_dim3A_275, %broadcast_in_dim3A_291, %broadcast_in_dim3A_307 in 1 : vector<128x1xi32>, vector<128x1xi32>, vector<128x1xi32>, vector<128x1xi32>, vector<128x1xi32>, vector<128x1xi32>, vector<128x1xi32>, vector<128x1xi32>, vector<128x1xi32>, vector<128x1xi32>, vector<128x1xi32>, vector<128x1xi32>, vector<128x1xi32>, vector<128x1xi32>, vector<128x1xi32>, vector<128x1xi32> -> vector<128x16xi32>
      scf.yield %concatenate3A_308, %concatenate3A_309 : vector<128x16xf32>, vector<128x16xi32>
    }
    %scan3A_16 = arith.constant 20 : i32
    %swap3A = arith.constant 0 : index
    %swap3A_17 = arith.constant 0 : index
    %swap3A_18 = vector.load %arg3[%swap3A, %swap3A_17] : memref<128x16xi32, #tpu.memory_space<vmem>>, vector<128x16xi32>
    tpu.vector_store %arg3[%swap3A, %swap3A_17], %scan3A_15#1 {strides = array<i32>} : memref<128x16xi32, #tpu.memory_space<vmem>>, vector<128x16xi32>,
    return
  }
  func.func @transform_0(%arg0: i32) -> (i32, i32) {
    %c0_i32 = arith.constant 0 : i32
    %c0_i32_0 = arith.constant 0 : i32
    return %arg0, %c0_i32 : i32, i32
  }
  func.func @transform_1(%arg0: i32) -> (i32, i32) {
    %c0_i32 = arith.constant 0 : i32
    %c0_i32_0 = arith.constant 0 : i32
    %c0_i32_1 = arith.constant 0 : i32
    return %c0_i32, %c0_i32_0 : i32, i32
  }
  func.func @transform_2(%arg0: i32) -> (i32, i32) {
    %c0_i32 = arith.constant 0 : i32
    %c0_i32_0 = arith.constant 0 : i32
    return %arg0, %c0_i32 : i32, i32
  }
}

module attributes {stable_mosaic.version = 14 : i64} {
  func.func @_layer0_body(%arg0: i32, %arg1: i32, %arg2: memref<128x16xf32, #tpu.memory_space<vmem>>, %arg3: memref<1x128x128xf32, #tpu.memory_space<vmem>>, %arg4: memref<4x128xf32, #tpu.memory_space<vmem>>, %arg5: memref<1x128xf32, #tpu.memory_space<vmem>>, %arg6: memref<128x128xf32, #tpu.memory_space<vmem>>, %arg7: memref<1x128xf32, #tpu.memory_space<vmem>>, %arg8: memref<128x128xf32, #tpu.memory_space<vmem>>, %arg9: memref<1x128x4xf32, #tpu.memory_space<vmem>>) attributes {dimension_semantics = [#tpu.dimension_semantics<arbitrary>, #tpu.dimension_semantics<arbitrary>], iteration_bounds = array<i64: 80, 16>, scalar_prefetch = 0 : i64, scratch_operands = 0 : i64, tpu.core_type = #tpu.core_type<tc>, window_params = [{transform_indices = @transform_0, window_bounds = array<i64: 128, 16>}, {transform_indices = @transform_1, window_bounds = array<i64: 1, 128, 128>}, {pipeline_mode = #tpu.pipeline_mode<synchronous>, transform_indices = @transform_2, window_bounds = array<i64: 4, 128>}, {pipeline_mode = #tpu.pipeline_mode<synchronous>, transform_indices = @transform_3, window_bounds = array<i64: 1, 128>}, {pipeline_mode = #tpu.pipeline_mode<synchronous>, transform_indices = @transform_4, window_bounds = array<i64: 128, 128>}, {pipeline_mode = #tpu.pipeline_mode<synchronous>, transform_indices = @transform_5, window_bounds = array<i64: 1, 128>}, {transform_indices = @transform_6, window_bounds = array<i64: 128, 128>}, {transform_indices = @transform_7, window_bounds = array<i64: 1, 128, 4>}]} {
    %get3A = arith.constant 0 : index
    %get3A_0 = arith.constant 0 : index
    %get3A_1 = vector.load %arg2[%get3A, %get3A_0] : memref<128x16xf32, #tpu.memory_space<vmem>>, vector<128x16xf32>
    %get3A_2 = arith.constant 0 : index
    %get3A_3 = arith.constant 0 : index
    %get3A_4 = arith.constant 0 : index
    %get3A_5 = vector.load %arg3[%get3A_2, %get3A_3, %get3A_4] : memref<1x128x128xf32, #tpu.memory_space<vmem>>, vector<1x128x128xf32>
    %get3A_6 = vector.shape_cast %get3A_5 : vector<1x128x128xf32> to vector<128x128xf32>
    %slice3A = vector.extract_strided_slice %get3A_6 {offsets = [0, 0], sizes = [128, 1], strides = [1, 1]} : vector<128x128xf32> to vector<128x1xf32>
    %slice3A_7 = vector.extract_strided_slice %get3A_1 {offsets = [0, 0], sizes = [128, 1], strides = [1, 1]} : vector<128x16xf32> to vector<128x1xf32>
    %sub3A = arith.subf %slice3A, %slice3A_7 : vector<128x1xf32>
    %slice3A_8 = vector.extract_strided_slice %get3A_6 {offsets = [0, 1], sizes = [128, 1], strides = [1, 1]} : vector<128x128xf32> to vector<128x1xf32>
    %slice3A_9 = vector.extract_strided_slice %get3A_1 {offsets = [0, 1], sizes = [128, 1], strides = [1, 1]} : vector<128x16xf32> to vector<128x1xf32>
    %sub3A_10 = arith.subf %slice3A_8, %slice3A_9 : vector<128x1xf32>
    %slice3A_11 = vector.extract_strided_slice %get3A_6 {offsets = [0, 2], sizes = [128, 1], strides = [1, 1]} : vector<128x128xf32> to vector<128x1xf32>
    %slice3A_12 = vector.extract_strided_slice %get3A_1 {offsets = [0, 2], sizes = [128, 1], strides = [1, 1]} : vector<128x16xf32> to vector<128x1xf32>
    %sub3A_13 = arith.subf %slice3A_11, %slice3A_12 : vector<128x1xf32>
    %slice3A_14 = vector.extract_strided_slice %get3A_1 {offsets = [0, 3], sizes = [128, 1], strides = [1, 1]} : vector<128x16xf32> to vector<128x1xf32>
    %slice3A_15 = vector.extract_strided_slice %get3A_1 {offsets = [0, 4], sizes = [128, 1], strides = [1, 1]} : vector<128x16xf32> to vector<128x1xf32>
    %slice3A_16 = vector.extract_strided_slice %get3A_1 {offsets = [0, 5], sizes = [128, 1], strides = [1, 1]} : vector<128x16xf32> to vector<128x1xf32>
    %slice3A_17 = vector.extract_strided_slice %get3A_6 {offsets = [0, 3], sizes = [128, 1], strides = [1, 1]} : vector<128x128xf32> to vector<128x1xf32>
    %slice3A_18 = vector.extract_strided_slice %get3A_6 {offsets = [0, 4], sizes = [128, 1], strides = [1, 1]} : vector<128x128xf32> to vector<128x1xf32>
    %slice3A_19 = vector.extract_strided_slice %get3A_6 {offsets = [0, 5], sizes = [128, 1], strides = [1, 1]} : vector<128x128xf32> to vector<128x1xf32>
    %mul3A = arith.mulf %sub3A, %sub3A : vector<128x1xf32>
    %mul3A_20 = arith.mulf %sub3A_10, %sub3A_10 : vector<128x1xf32>
    %add3A = arith.addf %mul3A, %mul3A_20 : vector<128x1xf32>
    %mul3A_21 = arith.mulf %sub3A_13, %sub3A_13 : vector<128x1xf32>
    %add3A_22 = arith.addf %add3A, %mul3A_21 : vector<128x1xf32>
    %sqrt3A = math.sqrt %add3A_22 : vector<128x1xf32>
    %mul3A_23 = arith.mulf %slice3A_15, %sub3A_13 : vector<128x1xf32>
    %mul3A_24 = arith.mulf %slice3A_16, %sub3A_10 : vector<128x1xf32>
    %sub3A_25 = arith.subf %mul3A_23, %mul3A_24 : vector<128x1xf32>
    %mul3A_26 = arith.mulf %slice3A_16, %sub3A : vector<128x1xf32>
    %mul3A_27 = arith.mulf %slice3A_14, %sub3A_13 : vector<128x1xf32>
    %sub3A_28 = arith.subf %mul3A_26, %mul3A_27 : vector<128x1xf32>
    %mul3A_29 = arith.mulf %slice3A_14, %sub3A_10 : vector<128x1xf32>
    %mul3A_30 = arith.mulf %slice3A_15, %sub3A : vector<128x1xf32>
    %sub3A_31 = arith.subf %mul3A_29, %mul3A_30 : vector<128x1xf32>
    %mul3A_32 = arith.mulf %sub3A_25, %sub3A_25 : vector<128x1xf32>
    %mul3A_33 = arith.mulf %sub3A_28, %sub3A_28 : vector<128x1xf32>
    %add3A_34 = arith.addf %mul3A_32, %mul3A_33 : vector<128x1xf32>
    %mul3A_35 = arith.mulf %sub3A_31, %sub3A_31 : vector<128x1xf32>
    %add3A_36 = arith.addf %add3A_34, %mul3A_35 : vector<128x1xf32>
    %sqrt3A_37 = math.sqrt %add3A_36 : vector<128x1xf32>
    %mul3A_38 = arith.mulf %slice3A_14, %sub3A : vector<128x1xf32>
    %mul3A_39 = arith.mulf %slice3A_15, %sub3A_10 : vector<128x1xf32>
    %add3A_40 = arith.addf %mul3A_38, %mul3A_39 : vector<128x1xf32>
    %mul3A_41 = arith.mulf %slice3A_16, %sub3A_13 : vector<128x1xf32>
    %add3A_42 = arith.addf %add3A_40, %mul3A_41 : vector<128x1xf32>
    %atan23A = math.atan2 %sqrt3A_37, %add3A_42 : vector<128x1xf32>
    %mul3A_43 = arith.mulf %slice3A_18, %sub3A_13 : vector<128x1xf32>
    %mul3A_44 = arith.mulf %slice3A_19, %sub3A_10 : vector<128x1xf32>
    %sub3A_45 = arith.subf %mul3A_43, %mul3A_44 : vector<128x1xf32>
    %mul3A_46 = arith.mulf %slice3A_19, %sub3A : vector<128x1xf32>
    %mul3A_47 = arith.mulf %slice3A_17, %sub3A_13 : vector<128x1xf32>
    %sub3A_48 = arith.subf %mul3A_46, %mul3A_47 : vector<128x1xf32>
    %mul3A_49 = arith.mulf %slice3A_17, %sub3A_10 : vector<128x1xf32>
    %mul3A_50 = arith.mulf %slice3A_18, %sub3A : vector<128x1xf32>
    %sub3A_51 = arith.subf %mul3A_49, %mul3A_50 : vector<128x1xf32>
    %mul3A_52 = arith.mulf %sub3A_45, %sub3A_45 : vector<128x1xf32>
    %mul3A_53 = arith.mulf %sub3A_48, %sub3A_48 : vector<128x1xf32>
    %add3A_54 = arith.addf %mul3A_52, %mul3A_53 : vector<128x1xf32>
    %mul3A_55 = arith.mulf %sub3A_51, %sub3A_51 : vector<128x1xf32>
    %add3A_56 = arith.addf %add3A_54, %mul3A_55 : vector<128x1xf32>
    %sqrt3A_57 = math.sqrt %add3A_56 : vector<128x1xf32>
    %mul3A_58 = arith.mulf %slice3A_17, %sub3A : vector<128x1xf32>
    %mul3A_59 = arith.mulf %slice3A_18, %sub3A_10 : vector<128x1xf32>
    %add3A_60 = arith.addf %mul3A_58, %mul3A_59 : vector<128x1xf32>
    %mul3A_61 = arith.mulf %slice3A_19, %sub3A_13 : vector<128x1xf32>
    %add3A_62 = arith.addf %add3A_60, %mul3A_61 : vector<128x1xf32>
    %atan23A_63 = math.atan2 %sqrt3A_57, %add3A_62 : vector<128x1xf32>
    %mul3A_64 = arith.mulf %slice3A_15, %slice3A_19 : vector<128x1xf32>
    %mul3A_65 = arith.mulf %slice3A_16, %slice3A_18 : vector<128x1xf32>
    %sub3A_66 = arith.subf %mul3A_64, %mul3A_65 : vector<128x1xf32>
    %mul3A_67 = arith.mulf %slice3A_16, %slice3A_17 : vector<128x1xf32>
    %mul3A_68 = arith.mulf %slice3A_14, %slice3A_19 : vector<128x1xf32>
    %sub3A_69 = arith.subf %mul3A_67, %mul3A_68 : vector<128x1xf32>
    %mul3A_70 = arith.mulf %slice3A_14, %slice3A_18 : vector<128x1xf32>
    %mul3A_71 = arith.mulf %slice3A_15, %slice3A_17 : vector<128x1xf32>
    %sub3A_72 = arith.subf %mul3A_70, %mul3A_71 : vector<128x1xf32>
    %mul3A_73 = arith.mulf %sub3A_66, %sub3A_66 : vector<128x1xf32>
    %mul3A_74 = arith.mulf %sub3A_69, %sub3A_69 : vector<128x1xf32>
    %add3A_75 = arith.addf %mul3A_73, %mul3A_74 : vector<128x1xf32>
    %mul3A_76 = arith.mulf %sub3A_72, %sub3A_72 : vector<128x1xf32>
    %add3A_77 = arith.addf %add3A_75, %mul3A_76 : vector<128x1xf32>
    %sqrt3A_78 = math.sqrt %add3A_77 : vector<128x1xf32>
    %mul3A_79 = arith.mulf %slice3A_14, %slice3A_17 : vector<128x1xf32>
    %mul3A_80 = arith.mulf %slice3A_15, %slice3A_18 : vector<128x1xf32>
    %add3A_81 = arith.addf %mul3A_79, %mul3A_80 : vector<128x1xf32>
    %mul3A_82 = arith.mulf %slice3A_16, %slice3A_19 : vector<128x1xf32>
    %add3A_83 = arith.addf %add3A_81, %mul3A_82 : vector<128x1xf32>
    %atan23A_84 = math.atan2 %sqrt3A_78, %add3A_83 : vector<128x1xf32>
    %concatenate3A = tpu.concatenate %sqrt3A, %atan23A, %atan23A_63, %atan23A_84 in 1 : vector<128x1xf32>, vector<128x1xf32>, vector<128x1xf32>, vector<128x1xf32> -> vector<128x4xf32>
    %swap3A = arith.constant 0 : index
    %swap3A_85 = arith.constant 0 : index
    %swap3A_86 = arith.constant 0 : index
    %swap3A_87 = vector.load %arg9[%swap3A, %swap3A_85, %swap3A_86] : memref<1x128x4xf32, #tpu.memory_space<vmem>>, vector<1x128x4xf32>
    %swap3A_88 = vector.shape_cast %swap3A_87 : vector<1x128x4xf32> to vector<128x4xf32>
    %swap3A_89 = vector.shape_cast %concatenate3A : vector<128x4xf32> to vector<1x128x4xf32>
    tpu.vector_store %arg9[%swap3A, %swap3A_85, %swap3A_86], %swap3A_89 {strides = array<i32>} : memref<1x128x4xf32, #tpu.memory_space<vmem>>, vector<1x128x4xf32>,
    %get3A_90 = arith.constant 0 : index
    %get3A_91 = arith.constant 0 : index
    %get3A_92 = vector.load %arg4[%get3A_90, %get3A_91] : memref<4x128xf32, #tpu.memory_space<vmem>>, vector<4x128xf32>
    %slice3A_93 = vector.extract_strided_slice %concatenate3A {offsets = [0, 0], sizes = [128, 1], strides = [1, 1]} : vector<128x4xf32> to vector<128x1xf32>
    %slice3A_94 = vector.extract_strided_slice %get3A_92 {offsets = [0, 0], sizes = [1, 128], strides = [1, 1]} : vector<4x128xf32> to vector<1x128xf32>
    %mul3A_95 = vector.broadcast %slice3A_93 : vector<128x1xf32> to vector<128x128xf32>
    %mul3A_96 = vector.broadcast %slice3A_94 : vector<1x128xf32> to vector<128x128xf32>
    %mul3A_97 = arith.mulf %mul3A_95, %mul3A_96 : vector<128x128xf32>
    %slice3A_98 = vector.extract_strided_slice %concatenate3A {offsets = [0, 1], sizes = [128, 1], strides = [1, 1]} : vector<128x4xf32> to vector<128x1xf32>
    %slice3A_99 = vector.extract_strided_slice %get3A_92 {offsets = [1, 0], sizes = [1, 128], strides = [1, 1]} : vector<4x128xf32> to vector<1x128xf32>
    %mul3A_100 = vector.broadcast %slice3A_98 : vector<128x1xf32> to vector<128x128xf32>
    %mul3A_101 = vector.broadcast %slice3A_99 : vector<1x128xf32> to vector<128x128xf32>
    %mul3A_102 = arith.mulf %mul3A_100, %mul3A_101 : vector<128x128xf32>
    %add3A_103 = arith.addf %mul3A_97, %mul3A_102 : vector<128x128xf32>
    %slice3A_104 = vector.extract_strided_slice %concatenate3A {offsets = [0, 2], sizes = [128, 1], strides = [1, 1]} : vector<128x4xf32> to vector<128x1xf32>
    %slice3A_105 = vector.extract_strided_slice %get3A_92 {offsets = [2, 0], sizes = [1, 128], strides = [1, 1]} : vector<4x128xf32> to vector<1x128xf32>
    %mul3A_106 = vector.broadcast %slice3A_104 : vector<128x1xf32> to vector<128x128xf32>
    %mul3A_107 = vector.broadcast %slice3A_105 : vector<1x128xf32> to vector<128x128xf32>
    %mul3A_108 = arith.mulf %mul3A_106, %mul3A_107 : vector<128x128xf32>
    %add3A_109 = arith.addf %add3A_103, %mul3A_108 : vector<128x128xf32>
    %slice3A_110 = vector.extract_strided_slice %concatenate3A {offsets = [0, 3], sizes = [128, 1], strides = [1, 1]} : vector<128x4xf32> to vector<128x1xf32>
    %slice3A_111 = vector.extract_strided_slice %get3A_92 {offsets = [3, 0], sizes = [1, 128], strides = [1, 1]} : vector<4x128xf32> to vector<1x128xf32>
    %mul3A_112 = vector.broadcast %slice3A_110 : vector<128x1xf32> to vector<128x128xf32>
    %mul3A_113 = vector.broadcast %slice3A_111 : vector<1x128xf32> to vector<128x128xf32>
    %mul3A_114 = arith.mulf %mul3A_112, %mul3A_113 : vector<128x128xf32>
    %add3A_115 = arith.addf %add3A_109, %mul3A_114 : vector<128x128xf32>
    %get3A_116 = arith.constant 0 : index
    %get3A_117 = arith.constant 0 : index
    %get3A_118 = vector.load %arg5[%get3A_116, %get3A_117] : memref<1x128xf32, #tpu.memory_space<vmem>>, vector<1x128xf32>
    %add3A_119 = vector.broadcast %get3A_118 : vector<1x128xf32> to vector<128x128xf32>
    %add3A_120 = arith.addf %add3A_115, %add3A_119 : vector<128x128xf32>
    %max3A = arith.constant 0.000000e+00 : f32
    %max3A_121 = vector.broadcast %max3A : f32 to vector<128x128xf32>
    %max3A_122 = arith.maximumf %add3A_120, %max3A_121 : vector<128x128xf32>
    %get3A_123 = arith.constant 0 : index
    %get3A_124 = arith.constant 0 : index
    %get3A_125 = vector.load %arg6[%get3A_123, %get3A_124] : memref<128x128xf32, #tpu.memory_space<vmem>>, vector<128x128xf32>
    %dot_general3A = arith.constant dense<0.000000e+00> : vector<128x128xf32>
    %dot_general3A_126 = tpu.matmul %max3A_122, %get3A_125, %dot_general3A {dimension_numbers = #tpu.dot_dimension_numbers<[1], [0], [0], [1], [0, 0, 1, 1], [], []>, transpose_lhs_hint = false} : vector<128x128xf32>, vector<128x128xf32>, vector<128x128xf32> -> vector<128x128xf32>
    %get3A_127 = arith.constant 0 : index
    %get3A_128 = arith.constant 0 : index
    %get3A_129 = vector.load %arg7[%get3A_127, %get3A_128] : memref<1x128xf32, #tpu.memory_space<vmem>>, vector<1x128xf32>
    %add3A_130 = vector.broadcast %get3A_129 : vector<1x128xf32> to vector<128x128xf32>
    %add3A_131 = arith.addf %dot_general3A_126, %add3A_130 : vector<128x128xf32>
    %eq3A = arith.constant 0 : i32
    %eq3A_132 = arith.cmpi eq, %arg1, %eq3A : i32
    %convert_element_type3A = arith.extui %eq3A_132 : i1 to i32
    %cond3A = arith.constant 0 : i32
    %cond3A_133 = arith.cmpi ne, %convert_element_type3A, %cond3A : i32
    scf.if %cond3A_133 {
      %get3A_143 = arith.constant 0 : index
      %get3A_144 = arith.constant 0 : index
      %get3A_145 = vector.load %arg5[%get3A_143, %get3A_144] : memref<1x128xf32, #tpu.memory_space<vmem>>, vector<1x128xf32>
      %max3A_146 = arith.constant 0.000000e+00 : f32
      %max3A_147 = vector.broadcast %max3A_146 : f32 to vector<1x128xf32>
      %max3A_148 = arith.maximumf %get3A_145, %max3A_147 : vector<1x128xf32>
      %get3A_149 = arith.constant 0 : index
      %get3A_150 = arith.constant 0 : index
      %get3A_151 = vector.load %arg6[%get3A_149, %get3A_150] : memref<128x128xf32, #tpu.memory_space<vmem>>, vector<128x128xf32>
      %dot_general3A_152 = arith.constant dense<0.000000e+00> : vector<1x128xf32>
      %dot_general3A_153 = tpu.matmul %max3A_148, %get3A_151, %dot_general3A_152 {dimension_numbers = #tpu.dot_dimension_numbers<[1], [0], [0], [1], [0, 0, 1, 1], [], []>, transpose_lhs_hint = false} : vector<1x128xf32>, vector<128x128xf32>, vector<1x128xf32> -> vector<1x128xf32>
      %get3A_154 = arith.constant 0 : index
      %get3A_155 = arith.constant 0 : index
      %get3A_156 = vector.load %arg7[%get3A_154, %get3A_155] : memref<1x128xf32, #tpu.memory_space<vmem>>, vector<1x128xf32>
      %add3A_157 = arith.addf %dot_general3A_153, %get3A_156 : vector<1x128xf32>
      %max3A_158 = vector.broadcast %add3A_157 : vector<1x128xf32> to vector<128x128xf32>
      %max3A_159 = arith.maximumf %add3A_131, %max3A_158 : vector<128x128xf32>
      %swap3A_160 = arith.constant 0 : index
      %swap3A_161 = arith.constant 0 : index
      %swap3A_162 = vector.load %arg8[%swap3A_160, %swap3A_161] : memref<128x128xf32, #tpu.memory_space<vmem>>, vector<128x128xf32>
      tpu.vector_store %arg8[%swap3A_160, %swap3A_161], %max3A_159 {strides = array<i32>} : memref<128x128xf32, #tpu.memory_space<vmem>>, vector<128x128xf32>,
    } else {
    }
    %gt3A = arith.constant 0 : i32
    %gt3A_134 = arith.cmpi sgt, %arg1, %gt3A : i32
    %convert_element_type3A_135 = arith.extui %gt3A_134 : i1 to i32
    %cond3A_136 = arith.constant 0 : i32
    %cond3A_137 = arith.cmpi ne, %convert_element_type3A_135, %cond3A_136 : i32
    scf.if %cond3A_137 {
      %get3A_143 = arith.constant 0 : index
      %get3A_144 = arith.constant 0 : index
      %get3A_145 = vector.load %arg8[%get3A_143, %get3A_144] : memref<128x128xf32, #tpu.memory_space<vmem>>, vector<128x128xf32>
      %max3A_146 = arith.maximumf %get3A_145, %add3A_131 : vector<128x128xf32>
      %swap3A_147 = arith.constant 0 : index
      %swap3A_148 = arith.constant 0 : index
      %swap3A_149 = vector.load %arg8[%swap3A_147, %swap3A_148] : memref<128x128xf32, #tpu.memory_space<vmem>>, vector<128x128xf32>
      tpu.vector_store %arg8[%swap3A_147, %swap3A_148], %max3A_146 {strides = array<i32>} : memref<128x128xf32, #tpu.memory_space<vmem>>, vector<128x128xf32>,
    } else {
    }
    %eq3A_138 = arith.constant 15 : i32
    %eq3A_139 = arith.cmpi eq, %arg1, %eq3A_138 : i32
    %convert_element_type3A_140 = arith.extui %eq3A_139 : i1 to i32
    %cond3A_141 = arith.constant 0 : i32
    %cond3A_142 = arith.cmpi ne, %convert_element_type3A_140, %cond3A_141 : i32
    scf.if %cond3A_142 {
      %get3A_143 = arith.constant 0 : index
      %get3A_144 = arith.constant 0 : index
      %get3A_145 = vector.load %arg8[%get3A_143, %get3A_144] : memref<128x128xf32, #tpu.memory_space<vmem>>, vector<128x128xf32>
      %max3A_146 = arith.constant 0.000000e+00 : f32
      %max3A_147 = vector.broadcast %max3A_146 : f32 to vector<128x128xf32>
      %max3A_148 = arith.maximumf %get3A_145, %max3A_147 : vector<128x128xf32>
      %swap3A_149 = arith.constant 0 : index
      %swap3A_150 = arith.constant 0 : index
      %swap3A_151 = vector.load %arg8[%swap3A_149, %swap3A_150] : memref<128x128xf32, #tpu.memory_space<vmem>>, vector<128x128xf32>
      tpu.vector_store %arg8[%swap3A_149, %swap3A_150], %max3A_148 {strides = array<i32>} : memref<128x128xf32, #tpu.memory_space<vmem>>, vector<128x128xf32>,
    } else {
    }
    return
  }
  func.func @transform_0(%arg0: i32, %arg1: i32) -> (i32, i32) {
    %c0_i32 = arith.constant 0 : i32
    %c0_i32_0 = arith.constant 0 : i32
    return %arg0, %c0_i32 : i32, i32
  }
  func.func @transform_1(%arg0: i32, %arg1: i32) -> (i32, i32, i32) {
    %c0_i32 = arith.constant 0 : i32
    %c0_i32_0 = arith.constant 0 : i32
    return %arg1, %arg0, %c0_i32 : i32, i32, i32
  }
  func.func @transform_2(%arg0: i32, %arg1: i32) -> (i32, i32) {
    %c0_i32 = arith.constant 0 : i32
    %c0_i32_0 = arith.constant 0 : i32
    %c0_i32_1 = arith.constant 0 : i32
    return %c0_i32, %c0_i32_0 : i32, i32
  }
  func.func @transform_3(%arg0: i32, %arg1: i32) -> (i32, i32) {
    %c0_i32 = arith.constant 0 : i32
    %c0_i32_0 = arith.constant 0 : i32
    %c0_i32_1 = arith.constant 0 : i32
    return %c0_i32, %c0_i32_0 : i32, i32
  }
  func.func @transform_4(%arg0: i32, %arg1: i32) -> (i32, i32) {
    %c0_i32 = arith.constant 0 : i32
    %c0_i32_0 = arith.constant 0 : i32
    %c0_i32_1 = arith.constant 0 : i32
    return %c0_i32, %c0_i32_0 : i32, i32
  }
  func.func @transform_5(%arg0: i32, %arg1: i32) -> (i32, i32) {
    %c0_i32 = arith.constant 0 : i32
    %c0_i32_0 = arith.constant 0 : i32
    %c0_i32_1 = arith.constant 0 : i32
    return %c0_i32, %c0_i32_0 : i32, i32
  }
  func.func @transform_6(%arg0: i32, %arg1: i32) -> (i32, i32) {
    %c0_i32 = arith.constant 0 : i32
    %c0_i32_0 = arith.constant 0 : i32
    return %arg0, %c0_i32 : i32, i32
  }
  func.func @transform_7(%arg0: i32, %arg1: i32) -> (i32, i32, i32) {
    %c0_i32 = arith.constant 0 : i32
    %c0_i32_0 = arith.constant 0 : i32
    return %arg1, %arg0, %c0_i32 : i32, i32, i32
  }
}

module attributes {stable_mosaic.version = 14 : i64} {
  func.func @_layer_body(%arg0: i32, %arg1: i32, %arg2: memref<128x128xf32, #tpu.memory_space<vmem>>, %arg3: memref<1x128x128xf32, #tpu.memory_space<vmem>>, %arg4: memref<1x128x4xf32, #tpu.memory_space<vmem>>, %arg5: memref<128x128xf32, #tpu.memory_space<vmem>>, %arg6: memref<4x128xf32, #tpu.memory_space<vmem>>, %arg7: memref<1x128xf32, #tpu.memory_space<vmem>>, %arg8: memref<128x128xf32, #tpu.memory_space<vmem>>, %arg9: memref<1x128xf32, #tpu.memory_space<vmem>>, %arg10: memref<128x128xf32, #tpu.memory_space<vmem>>) attributes {dimension_semantics = [#tpu.dimension_semantics<arbitrary>, #tpu.dimension_semantics<arbitrary>], iteration_bounds = array<i64: 80, 16>, scalar_prefetch = 0 : i64, scratch_operands = 0 : i64, tpu.core_type = #tpu.core_type<tc>, window_params = [{transform_indices = @transform_0, window_bounds = array<i64: 128, 128>}, {transform_indices = @transform_1, window_bounds = array<i64: 1, 128, 128>}, {transform_indices = @transform_2, window_bounds = array<i64: 1, 128, 4>}, {pipeline_mode = #tpu.pipeline_mode<synchronous>, transform_indices = @transform_3, window_bounds = array<i64: 128, 128>}, {pipeline_mode = #tpu.pipeline_mode<synchronous>, transform_indices = @transform_4, window_bounds = array<i64: 4, 128>}, {pipeline_mode = #tpu.pipeline_mode<synchronous>, transform_indices = @transform_5, window_bounds = array<i64: 1, 128>}, {pipeline_mode = #tpu.pipeline_mode<synchronous>, transform_indices = @transform_6, window_bounds = array<i64: 128, 128>}, {pipeline_mode = #tpu.pipeline_mode<synchronous>, transform_indices = @transform_7, window_bounds = array<i64: 1, 128>}, {transform_indices = @transform_8, window_bounds = array<i64: 128, 128>}]} {
    %get3A = arith.constant 0 : index
    %get3A_0 = arith.constant 0 : index
    %get3A_1 = arith.constant 0 : index
    %get3A_2 = vector.load %arg3[%get3A, %get3A_0, %get3A_1] : memref<1x128x128xf32, #tpu.memory_space<vmem>>, vector<1x128x128xf32>
    %get3A_3 = vector.shape_cast %get3A_2 : vector<1x128x128xf32> to vector<128x128xf32>
    %get3A_4 = arith.constant 0 : index
    %get3A_5 = arith.constant 0 : index
    %get3A_6 = vector.load %arg5[%get3A_4, %get3A_5] : memref<128x128xf32, #tpu.memory_space<vmem>>, vector<128x128xf32>
    %dot_general3A = arith.constant dense<0.000000e+00> : vector<128x128xf32>
    %dot_general3A_7 = tpu.matmul %get3A_3, %get3A_6, %dot_general3A {dimension_numbers = #tpu.dot_dimension_numbers<[1], [0], [0], [1], [0, 0, 1, 1], [], []>, transpose_lhs_hint = false} : vector<128x128xf32>, vector<128x128xf32>, vector<128x128xf32> -> vector<128x128xf32>
    %get3A_8 = arith.constant 0 : index
    %get3A_9 = arith.constant 0 : index
    %get3A_10 = arith.constant 0 : index
    %get3A_11 = vector.load %arg4[%get3A_8, %get3A_9, %get3A_10] : memref<1x128x4xf32, #tpu.memory_space<vmem>>, vector<1x128x4xf32>
    %get3A_12 = vector.shape_cast %get3A_11 : vector<1x128x4xf32> to vector<128x4xf32>
    %get3A_13 = arith.constant 0 : index
    %get3A_14 = arith.constant 0 : index
    %get3A_15 = vector.load %arg6[%get3A_13, %get3A_14] : memref<4x128xf32, #tpu.memory_space<vmem>>, vector<4x128xf32>
    %slice3A = vector.extract_strided_slice %get3A_12 {offsets = [0, 0], sizes = [128, 1], strides = [1, 1]} : vector<128x4xf32> to vector<128x1xf32>
    %slice3A_16 = vector.extract_strided_slice %get3A_15 {offsets = [0, 0], sizes = [1, 128], strides = [1, 1]} : vector<4x128xf32> to vector<1x128xf32>
    %mul3A = vector.broadcast %slice3A : vector<128x1xf32> to vector<128x128xf32>
    %mul3A_17 = vector.broadcast %slice3A_16 : vector<1x128xf32> to vector<128x128xf32>
    %mul3A_18 = arith.mulf %mul3A, %mul3A_17 : vector<128x128xf32>
    %slice3A_19 = vector.extract_strided_slice %get3A_12 {offsets = [0, 1], sizes = [128, 1], strides = [1, 1]} : vector<128x4xf32> to vector<128x1xf32>
    %slice3A_20 = vector.extract_strided_slice %get3A_15 {offsets = [1, 0], sizes = [1, 128], strides = [1, 1]} : vector<4x128xf32> to vector<1x128xf32>
    %mul3A_21 = vector.broadcast %slice3A_19 : vector<128x1xf32> to vector<128x128xf32>
    %mul3A_22 = vector.broadcast %slice3A_20 : vector<1x128xf32> to vector<128x128xf32>
    %mul3A_23 = arith.mulf %mul3A_21, %mul3A_22 : vector<128x128xf32>
    %add3A = arith.addf %mul3A_18, %mul3A_23 : vector<128x128xf32>
    %slice3A_24 = vector.extract_strided_slice %get3A_12 {offsets = [0, 2], sizes = [128, 1], strides = [1, 1]} : vector<128x4xf32> to vector<128x1xf32>
    %slice3A_25 = vector.extract_strided_slice %get3A_15 {offsets = [2, 0], sizes = [1, 128], strides = [1, 1]} : vector<4x128xf32> to vector<1x128xf32>
    %mul3A_26 = vector.broadcast %slice3A_24 : vector<128x1xf32> to vector<128x128xf32>
    %mul3A_27 = vector.broadcast %slice3A_25 : vector<1x128xf32> to vector<128x128xf32>
    %mul3A_28 = arith.mulf %mul3A_26, %mul3A_27 : vector<128x128xf32>
    %add3A_29 = arith.addf %add3A, %mul3A_28 : vector<128x128xf32>
    %slice3A_30 = vector.extract_strided_slice %get3A_12 {offsets = [0, 3], sizes = [128, 1], strides = [1, 1]} : vector<128x4xf32> to vector<128x1xf32>
    %slice3A_31 = vector.extract_strided_slice %get3A_15 {offsets = [3, 0], sizes = [1, 128], strides = [1, 1]} : vector<4x128xf32> to vector<1x128xf32>
    %mul3A_32 = vector.broadcast %slice3A_30 : vector<128x1xf32> to vector<128x128xf32>
    %mul3A_33 = vector.broadcast %slice3A_31 : vector<1x128xf32> to vector<128x128xf32>
    %mul3A_34 = arith.mulf %mul3A_32, %mul3A_33 : vector<128x128xf32>
    %add3A_35 = arith.addf %add3A_29, %mul3A_34 : vector<128x128xf32>
    %add3A_36 = arith.addf %dot_general3A_7, %add3A_35 : vector<128x128xf32>
    %get3A_37 = arith.constant 0 : index
    %get3A_38 = arith.constant 0 : index
    %get3A_39 = vector.load %arg7[%get3A_37, %get3A_38] : memref<1x128xf32, #tpu.memory_space<vmem>>, vector<1x128xf32>
    %add3A_40 = vector.broadcast %get3A_39 : vector<1x128xf32> to vector<128x128xf32>
    %add3A_41 = arith.addf %add3A_36, %add3A_40 : vector<128x128xf32>
    %max3A = arith.constant 0.000000e+00 : f32
    %max3A_42 = vector.broadcast %max3A : f32 to vector<128x128xf32>
    %max3A_43 = arith.maximumf %add3A_41, %max3A_42 : vector<128x128xf32>
    %get3A_44 = arith.constant 0 : index
    %get3A_45 = arith.constant 0 : index
    %get3A_46 = vector.load %arg8[%get3A_44, %get3A_45] : memref<128x128xf32, #tpu.memory_space<vmem>>, vector<128x128xf32>
    %dot_general3A_47 = arith.constant dense<0.000000e+00> : vector<128x128xf32>
    %dot_general3A_48 = tpu.matmul %max3A_43, %get3A_46, %dot_general3A_47 {dimension_numbers = #tpu.dot_dimension_numbers<[1], [0], [0], [1], [0, 0, 1, 1], [], []>, transpose_lhs_hint = false} : vector<128x128xf32>, vector<128x128xf32>, vector<128x128xf32> -> vector<128x128xf32>
    %get3A_49 = arith.constant 0 : index
    %get3A_50 = arith.constant 0 : index
    %get3A_51 = vector.load %arg9[%get3A_49, %get3A_50] : memref<1x128xf32, #tpu.memory_space<vmem>>, vector<1x128xf32>
    %add3A_52 = vector.broadcast %get3A_51 : vector<1x128xf32> to vector<128x128xf32>
    %add3A_53 = arith.addf %dot_general3A_48, %add3A_52 : vector<128x128xf32>
    %eq3A = arith.constant 0 : i32
    %eq3A_54 = arith.cmpi eq, %arg1, %eq3A : i32
    %convert_element_type3A = arith.extui %eq3A_54 : i1 to i32
    %cond3A = arith.constant 0 : i32
    %cond3A_55 = arith.cmpi ne, %convert_element_type3A, %cond3A : i32
    scf.if %cond3A_55 {
      %get3A_65 = arith.constant 0 : index
      %get3A_66 = arith.constant 0 : index
      %get3A_67 = vector.load %arg2[%get3A_65, %get3A_66] : memref<128x128xf32, #tpu.memory_space<vmem>>, vector<128x128xf32>
      %get3A_68 = arith.constant 0 : index
      %get3A_69 = arith.constant 0 : index
      %get3A_70 = vector.load %arg5[%get3A_68, %get3A_69] : memref<128x128xf32, #tpu.memory_space<vmem>>, vector<128x128xf32>
      %dot_general3A_71 = arith.constant dense<0.000000e+00> : vector<128x128xf32>
      %dot_general3A_72 = tpu.matmul %get3A_67, %get3A_70, %dot_general3A_71 {dimension_numbers = #tpu.dot_dimension_numbers<[1], [0], [0], [1], [0, 0, 1, 1], [], []>, transpose_lhs_hint = false} : vector<128x128xf32>, vector<128x128xf32>, vector<128x128xf32> -> vector<128x128xf32>
      %get3A_73 = arith.constant 0 : index
      %get3A_74 = arith.constant 0 : index
      %get3A_75 = vector.load %arg7[%get3A_73, %get3A_74] : memref<1x128xf32, #tpu.memory_space<vmem>>, vector<1x128xf32>
      %add3A_76 = vector.broadcast %get3A_75 : vector<1x128xf32> to vector<128x128xf32>
      %add3A_77 = arith.addf %dot_general3A_72, %add3A_76 : vector<128x128xf32>
      %max3A_78 = arith.constant 0.000000e+00 : f32
      %max3A_79 = vector.broadcast %max3A_78 : f32 to vector<128x128xf32>
      %max3A_80 = arith.maximumf %add3A_77, %max3A_79 : vector<128x128xf32>
      %get3A_81 = arith.constant 0 : index
      %get3A_82 = arith.constant 0 : index
      %get3A_83 = vector.load %arg8[%get3A_81, %get3A_82] : memref<128x128xf32, #tpu.memory_space<vmem>>, vector<128x128xf32>
      %dot_general3A_84 = arith.constant dense<0.000000e+00> : vector<128x128xf32>
      %dot_general3A_85 = tpu.matmul %max3A_80, %get3A_83, %dot_general3A_84 {dimension_numbers = #tpu.dot_dimension_numbers<[1], [0], [0], [1], [0, 0, 1, 1], [], []>, transpose_lhs_hint = false} : vector<128x128xf32>, vector<128x128xf32>, vector<128x128xf32> -> vector<128x128xf32>
      %get3A_86 = arith.constant 0 : index
      %get3A_87 = arith.constant 0 : index
      %get3A_88 = vector.load %arg9[%get3A_86, %get3A_87] : memref<1x128xf32, #tpu.memory_space<vmem>>, vector<1x128xf32>
      %add3A_89 = vector.broadcast %get3A_88 : vector<1x128xf32> to vector<128x128xf32>
      %add3A_90 = arith.addf %dot_general3A_85, %add3A_89 : vector<128x128xf32>
      %max3A_91 = arith.maximumf %add3A_53, %add3A_90 : vector<128x128xf32>
      %swap3A = arith.constant 0 : index
      %swap3A_92 = arith.constant 0 : index
      %swap3A_93 = vector.load %arg10[%swap3A, %swap3A_92] : memref<128x128xf32, #tpu.memory_space<vmem>>, vector<128x128xf32>
      tpu.vector_store %arg10[%swap3A, %swap3A_92], %max3A_91 {strides = array<i32>} : memref<128x128xf32, #tpu.memory_space<vmem>>, vector<128x128xf32>,
    } else {
    }
    %gt3A = arith.constant 0 : i32
    %gt3A_56 = arith.cmpi sgt, %arg1, %gt3A : i32
    %convert_element_type3A_57 = arith.extui %gt3A_56 : i1 to i32
    %cond3A_58 = arith.constant 0 : i32
    %cond3A_59 = arith.cmpi ne, %convert_element_type3A_57, %cond3A_58 : i32
    scf.if %cond3A_59 {
      %get3A_65 = arith.constant 0 : index
      %get3A_66 = arith.constant 0 : index
      %get3A_67 = vector.load %arg10[%get3A_65, %get3A_66] : memref<128x128xf32, #tpu.memory_space<vmem>>, vector<128x128xf32>
      %max3A_68 = arith.maximumf %get3A_67, %add3A_53 : vector<128x128xf32>
      %swap3A = arith.constant 0 : index
      %swap3A_69 = arith.constant 0 : index
      %swap3A_70 = vector.load %arg10[%swap3A, %swap3A_69] : memref<128x128xf32, #tpu.memory_space<vmem>>, vector<128x128xf32>
      tpu.vector_store %arg10[%swap3A, %swap3A_69], %max3A_68 {strides = array<i32>} : memref<128x128xf32, #tpu.memory_space<vmem>>, vector<128x128xf32>,
    } else {
    }
    %eq3A_60 = arith.constant 15 : i32
    %eq3A_61 = arith.cmpi eq, %arg1, %eq3A_60 : i32
    %convert_element_type3A_62 = arith.extui %eq3A_61 : i1 to i32
    %cond3A_63 = arith.constant 0 : i32
    %cond3A_64 = arith.cmpi ne, %convert_element_type3A_62, %cond3A_63 : i32
    scf.if %cond3A_64 {
      %get3A_65 = arith.constant 0 : index
      %get3A_66 = arith.constant 0 : index
      %get3A_67 = vector.load %arg10[%get3A_65, %get3A_66] : memref<128x128xf32, #tpu.memory_space<vmem>>, vector<128x128xf32>
      %max3A_68 = arith.constant 0.000000e+00 : f32
      %max3A_69 = vector.broadcast %max3A_68 : f32 to vector<128x128xf32>
      %max3A_70 = arith.maximumf %get3A_67, %max3A_69 : vector<128x128xf32>
      %swap3A = arith.constant 0 : index
      %swap3A_71 = arith.constant 0 : index
      %swap3A_72 = vector.load %arg10[%swap3A, %swap3A_71] : memref<128x128xf32, #tpu.memory_space<vmem>>, vector<128x128xf32>
      tpu.vector_store %arg10[%swap3A, %swap3A_71], %max3A_70 {strides = array<i32>} : memref<128x128xf32, #tpu.memory_space<vmem>>, vector<128x128xf32>,
    } else {
    }
    return
  }
  func.func @transform_0(%arg0: i32, %arg1: i32) -> (i32, i32) {
    %c0_i32 = arith.constant 0 : i32
    %c0_i32_0 = arith.constant 0 : i32
    return %arg0, %c0_i32 : i32, i32
  }
  func.func @transform_1(%arg0: i32, %arg1: i32) -> (i32, i32, i32) {
    %c0_i32 = arith.constant 0 : i32
    %c0_i32_0 = arith.constant 0 : i32
    return %arg1, %arg0, %c0_i32 : i32, i32, i32
  }
  func.func @transform_2(%arg0: i32, %arg1: i32) -> (i32, i32, i32) {
    %c0_i32 = arith.constant 0 : i32
    %c0_i32_0 = arith.constant 0 : i32
    return %arg1, %arg0, %c0_i32 : i32, i32, i32
  }
  func.func @transform_3(%arg0: i32, %arg1: i32) -> (i32, i32) {
    %c0_i32 = arith.constant 0 : i32
    %c0_i32_0 = arith.constant 0 : i32
    %c0_i32_1 = arith.constant 0 : i32
    return %c0_i32, %c0_i32_0 : i32, i32
  }
  func.func @transform_4(%arg0: i32, %arg1: i32) -> (i32, i32) {
    %c0_i32 = arith.constant 0 : i32
    %c0_i32_0 = arith.constant 0 : i32
    %c0_i32_1 = arith.constant 0 : i32
    return %c0_i32, %c0_i32_0 : i32, i32
  }
  func.func @transform_5(%arg0: i32, %arg1: i32) -> (i32, i32) {
    %c0_i32 = arith.constant 0 : i32
    %c0_i32_0 = arith.constant 0 : i32
    %c0_i32_1 = arith.constant 0 : i32
    return %c0_i32, %c0_i32_0 : i32, i32
  }
  func.func @transform_6(%arg0: i32, %arg1: i32) -> (i32, i32) {
    %c0_i32 = arith.constant 0 : i32
    %c0_i32_0 = arith.constant 0 : i32
    %c0_i32_1 = arith.constant 0 : i32
    return %c0_i32, %c0_i32_0 : i32, i32
  }
  func.func @transform_7(%arg0: i32, %arg1: i32) -> (i32, i32) {
    %c0_i32 = arith.constant 0 : i32
    %c0_i32_0 = arith.constant 0 : i32
    %c0_i32_1 = arith.constant 0 : i32
    return %c0_i32, %c0_i32_0 : i32, i32
  }
  func.func @transform_8(%arg0: i32, %arg1: i32) -> (i32, i32) {
    %c0_i32 = arith.constant 0 : i32
    %c0_i32_0 = arith.constant 0 : i32
    return %arg0, %c0_i32 : i32, i32
  }
}

module attributes {stable_mosaic.version = 14 : i64} {
  func.func @_pool_body(%arg0: i32, %arg1: memref<128x128xf32, #tpu.memory_space<vmem>>, %arg2: memref<128x16xf32, #tpu.memory_space<vmem>>, %arg3: memref<128x40xf32, #tpu.memory_space<vmem>>, %arg4: memref<1x40xf32, #tpu.memory_space<vmem>>, %arg5: memref<8x40xf32, #tpu.memory_space<vmem>>, %arg6: memref<8x128xf32, #tpu.memory_space<vmem>>) attributes {dimension_semantics = [#tpu.dimension_semantics<arbitrary>], iteration_bounds = array<i64: 80>, scalar_prefetch = 0 : i64, scratch_operands = 1 : i64, tpu.core_type = #tpu.core_type<tc>, window_params = [{transform_indices = @transform_0, window_bounds = array<i64: 128, 128>}, {transform_indices = @transform_1, window_bounds = array<i64: 128, 16>}, {pipeline_mode = #tpu.pipeline_mode<synchronous>, transform_indices = @transform_2, window_bounds = array<i64: 128, 40>}, {pipeline_mode = #tpu.pipeline_mode<synchronous>, transform_indices = @transform_3, window_bounds = array<i64: 1, 40>}, {pipeline_mode = #tpu.pipeline_mode<synchronous>, transform_indices = @transform_4, window_bounds = array<i64: 8, 40>}]} {
    %eq3A = arith.constant 0 : i32
    %eq3A_0 = arith.cmpi eq, %arg0, %eq3A : i32
    %convert_element_type3A = arith.extui %eq3A_0 : i1 to i32
    %cond3A = arith.constant 0 : i32
    %cond3A_1 = arith.cmpi ne, %convert_element_type3A, %cond3A : i32
    scf.if %cond3A_1 {
      %broadcast_in_dim3A_150 = arith.constant 0xFF800000 : f32
      %broadcast_in_dim3A_151 = vector.broadcast %broadcast_in_dim3A_150 : f32 to vector<8x128xf32>
      %swap3A_152 = arith.constant 0 : index
      %swap3A_153 = arith.constant 0 : index
      %swap3A_154 = vector.load %arg6[%swap3A_152, %swap3A_153] : memref<8x128xf32, #tpu.memory_space<vmem>>, vector<8x128xf32>
      tpu.vector_store %arg6[%swap3A_152, %swap3A_153], %broadcast_in_dim3A_151 {strides = array<i32>} : memref<8x128xf32, #tpu.memory_space<vmem>>, vector<8x128xf32>,
    } else {
    }
    %get3A = arith.constant 0 : index
    %get3A_2 = arith.constant 0 : index
    %get3A_3 = vector.load %arg1[%get3A, %get3A_2] : memref<128x128xf32, #tpu.memory_space<vmem>>, vector<128x128xf32>
    %get3A_4 = arith.constant 0 : index
    %get3A_5 = arith.constant 6 : index
    %get3A_6 = vector.load %arg2[%get3A_4, %get3A_5] : memref<128x16xf32, #tpu.memory_space<vmem>>, vector<128x1xf32>
    %eq3A_7 = arith.constant 0.000000e+00 : f32
    %eq3A_8 = vector.broadcast %eq3A_7 : f32 to vector<128x1xf32>
    %eq3A_9 = arith.cmpf oeq, %get3A_6, %eq3A_8 : vector<128x1xf32>
    %jit3A = arith.constant 0xFF800000 : f32
    %broadcast_in_dim3A = vector.shape_cast %eq3A_9 : vector<128x1xi1> to vector<128x1xi1>
    %broadcast_in_dim3A_10 = vector.broadcast %broadcast_in_dim3A : vector<128x1xi1> to vector<128x128xi1>
    %broadcast_in_dim3A_11 = vector.broadcast %jit3A : f32 to vector<128x128xf32>
    %select_n3A = arith.select %broadcast_in_dim3A_10, %get3A_3, %broadcast_in_dim3A_11 : vector<128x128xi1>, vector<128x128xf32>
    %reduce_max3A = arith.constant dense<0xFF800000> : vector<128xf32>
    %reduce_max3A_12 = vector.multi_reduction <maximumf>, %select_n3A, %reduce_max3A [0] : vector<128x128xf32> to vector<128xf32>
    %broadcast_in_dim3A_13 = vector.shape_cast %reduce_max3A_12 : vector<128xf32> to vector<1x128xf32>
    %get3A_14 = arith.constant 0 : index
    %get3A_15 = arith.constant 0 : index
    %get3A_16 = vector.load %arg6[%get3A_14, %get3A_15] : memref<8x128xf32, #tpu.memory_space<vmem>>, vector<1x128xf32>
    %max3A = arith.maximumf %get3A_16, %broadcast_in_dim3A_13 : vector<1x128xf32>
    %swap3A = arith.constant 0 : index
    %swap3A_17 = arith.constant 0 : index
    %swap3A_18 = vector.load %arg6[%swap3A, %swap3A_17] : memref<8x128xf32, #tpu.memory_space<vmem>>, vector<1x128xf32>
    tpu.vector_store %arg6[%swap3A, %swap3A_17], %max3A {strides = array<i32>} : memref<8x128xf32, #tpu.memory_space<vmem>>, vector<1x128xf32>,
    %eq3A_19 = arith.constant 1.000000e+00 : f32
    %eq3A_20 = vector.broadcast %eq3A_19 : f32 to vector<128x1xf32>
    %eq3A_21 = arith.cmpf oeq, %get3A_6, %eq3A_20 : vector<128x1xf32>
    %jit3A_22 = arith.constant 0xFF800000 : f32
    %broadcast_in_dim3A_23 = vector.shape_cast %eq3A_21 : vector<128x1xi1> to vector<128x1xi1>
    %broadcast_in_dim3A_24 = vector.broadcast %broadcast_in_dim3A_23 : vector<128x1xi1> to vector<128x128xi1>
    %broadcast_in_dim3A_25 = vector.broadcast %jit3A_22 : f32 to vector<128x128xf32>
    %select_n3A_26 = arith.select %broadcast_in_dim3A_24, %get3A_3, %broadcast_in_dim3A_25 : vector<128x128xi1>, vector<128x128xf32>
    %reduce_max3A_27 = arith.constant dense<0xFF800000> : vector<128xf32>
    %reduce_max3A_28 = vector.multi_reduction <maximumf>, %select_n3A_26, %reduce_max3A_27 [0] : vector<128x128xf32> to vector<128xf32>
    %broadcast_in_dim3A_29 = vector.shape_cast %reduce_max3A_28 : vector<128xf32> to vector<1x128xf32>
    %get3A_30 = arith.constant 1 : index
    %get3A_31 = arith.constant 0 : index
    %get3A_32 = vector.load %arg6[%get3A_30, %get3A_31] : memref<8x128xf32, #tpu.memory_space<vmem>>, vector<1x128xf32>
    %max3A_33 = arith.maximumf %get3A_32, %broadcast_in_dim3A_29 : vector<1x128xf32>
    %swap3A_34 = arith.constant 1 : index
    %swap3A_35 = arith.constant 0 : index
    %swap3A_36 = vector.load %arg6[%swap3A_34, %swap3A_35] : memref<8x128xf32, #tpu.memory_space<vmem>>, vector<1x128xf32>
    tpu.vector_store %arg6[%swap3A_34, %swap3A_35], %max3A_33 {strides = array<i32>} : memref<8x128xf32, #tpu.memory_space<vmem>>, vector<1x128xf32>,
    %eq3A_37 = arith.constant 2.000000e+00 : f32
    %eq3A_38 = vector.broadcast %eq3A_37 : f32 to vector<128x1xf32>
    %eq3A_39 = arith.cmpf oeq, %get3A_6, %eq3A_38 : vector<128x1xf32>
    %jit3A_40 = arith.constant 0xFF800000 : f32
    %broadcast_in_dim3A_41 = vector.shape_cast %eq3A_39 : vector<128x1xi1> to vector<128x1xi1>
    %broadcast_in_dim3A_42 = vector.broadcast %broadcast_in_dim3A_41 : vector<128x1xi1> to vector<128x128xi1>
    %broadcast_in_dim3A_43 = vector.broadcast %jit3A_40 : f32 to vector<128x128xf32>
    %select_n3A_44 = arith.select %broadcast_in_dim3A_42, %get3A_3, %broadcast_in_dim3A_43 : vector<128x128xi1>, vector<128x128xf32>
    %reduce_max3A_45 = arith.constant dense<0xFF800000> : vector<128xf32>
    %reduce_max3A_46 = vector.multi_reduction <maximumf>, %select_n3A_44, %reduce_max3A_45 [0] : vector<128x128xf32> to vector<128xf32>
    %broadcast_in_dim3A_47 = vector.shape_cast %reduce_max3A_46 : vector<128xf32> to vector<1x128xf32>
    %get3A_48 = arith.constant 2 : index
    %get3A_49 = arith.constant 0 : index
    %get3A_50 = vector.load %arg6[%get3A_48, %get3A_49] : memref<8x128xf32, #tpu.memory_space<vmem>>, vector<1x128xf32>
    %max3A_51 = arith.maximumf %get3A_50, %broadcast_in_dim3A_47 : vector<1x128xf32>
    %swap3A_52 = arith.constant 2 : index
    %swap3A_53 = arith.constant 0 : index
    %swap3A_54 = vector.load %arg6[%swap3A_52, %swap3A_53] : memref<8x128xf32, #tpu.memory_space<vmem>>, vector<1x128xf32>
    tpu.vector_store %arg6[%swap3A_52, %swap3A_53], %max3A_51 {strides = array<i32>} : memref<8x128xf32, #tpu.memory_space<vmem>>, vector<1x128xf32>,
    %eq3A_55 = arith.constant 3.000000e+00 : f32
    %eq3A_56 = vector.broadcast %eq3A_55 : f32 to vector<128x1xf32>
    %eq3A_57 = arith.cmpf oeq, %get3A_6, %eq3A_56 : vector<128x1xf32>
    %jit3A_58 = arith.constant 0xFF800000 : f32
    %broadcast_in_dim3A_59 = vector.shape_cast %eq3A_57 : vector<128x1xi1> to vector<128x1xi1>
    %broadcast_in_dim3A_60 = vector.broadcast %broadcast_in_dim3A_59 : vector<128x1xi1> to vector<128x128xi1>
    %broadcast_in_dim3A_61 = vector.broadcast %jit3A_58 : f32 to vector<128x128xf32>
    %select_n3A_62 = arith.select %broadcast_in_dim3A_60, %get3A_3, %broadcast_in_dim3A_61 : vector<128x128xi1>, vector<128x128xf32>
    %reduce_max3A_63 = arith.constant dense<0xFF800000> : vector<128xf32>
    %reduce_max3A_64 = vector.multi_reduction <maximumf>, %select_n3A_62, %reduce_max3A_63 [0] : vector<128x128xf32> to vector<128xf32>
    %broadcast_in_dim3A_65 = vector.shape_cast %reduce_max3A_64 : vector<128xf32> to vector<1x128xf32>
    %get3A_66 = arith.constant 3 : index
    %get3A_67 = arith.constant 0 : index
    %get3A_68 = vector.load %arg6[%get3A_66, %get3A_67] : memref<8x128xf32, #tpu.memory_space<vmem>>, vector<1x128xf32>
    %max3A_69 = arith.maximumf %get3A_68, %broadcast_in_dim3A_65 : vector<1x128xf32>
    %swap3A_70 = arith.constant 3 : index
    %swap3A_71 = arith.constant 0 : index
    %swap3A_72 = vector.load %arg6[%swap3A_70, %swap3A_71] : memref<8x128xf32, #tpu.memory_space<vmem>>, vector<1x128xf32>
    tpu.vector_store %arg6[%swap3A_70, %swap3A_71], %max3A_69 {strides = array<i32>} : memref<8x128xf32, #tpu.memory_space<vmem>>, vector<1x128xf32>,
    %eq3A_73 = arith.constant 4.000000e+00 : f32
    %eq3A_74 = vector.broadcast %eq3A_73 : f32 to vector<128x1xf32>
    %eq3A_75 = arith.cmpf oeq, %get3A_6, %eq3A_74 : vector<128x1xf32>
    %jit3A_76 = arith.constant 0xFF800000 : f32
    %broadcast_in_dim3A_77 = vector.shape_cast %eq3A_75 : vector<128x1xi1> to vector<128x1xi1>
    %broadcast_in_dim3A_78 = vector.broadcast %broadcast_in_dim3A_77 : vector<128x1xi1> to vector<128x128xi1>
    %broadcast_in_dim3A_79 = vector.broadcast %jit3A_76 : f32 to vector<128x128xf32>
    %select_n3A_80 = arith.select %broadcast_in_dim3A_78, %get3A_3, %broadcast_in_dim3A_79 : vector<128x128xi1>, vector<128x128xf32>
    %reduce_max3A_81 = arith.constant dense<0xFF800000> : vector<128xf32>
    %reduce_max3A_82 = vector.multi_reduction <maximumf>, %select_n3A_80, %reduce_max3A_81 [0] : vector<128x128xf32> to vector<128xf32>
    %broadcast_in_dim3A_83 = vector.shape_cast %reduce_max3A_82 : vector<128xf32> to vector<1x128xf32>
    %get3A_84 = arith.constant 4 : index
    %get3A_85 = arith.constant 0 : index
    %get3A_86 = vector.load %arg6[%get3A_84, %get3A_85] : memref<8x128xf32, #tpu.memory_space<vmem>>, vector<1x128xf32>
    %max3A_87 = arith.maximumf %get3A_86, %broadcast_in_dim3A_83 : vector<1x128xf32>
    %swap3A_88 = arith.constant 4 : index
    %swap3A_89 = arith.constant 0 : index
    %swap3A_90 = vector.load %arg6[%swap3A_88, %swap3A_89] : memref<8x128xf32, #tpu.memory_space<vmem>>, vector<1x128xf32>
    tpu.vector_store %arg6[%swap3A_88, %swap3A_89], %max3A_87 {strides = array<i32>} : memref<8x128xf32, #tpu.memory_space<vmem>>, vector<1x128xf32>,
    %eq3A_91 = arith.constant 5.000000e+00 : f32
    %eq3A_92 = vector.broadcast %eq3A_91 : f32 to vector<128x1xf32>
    %eq3A_93 = arith.cmpf oeq, %get3A_6, %eq3A_92 : vector<128x1xf32>
    %jit3A_94 = arith.constant 0xFF800000 : f32
    %broadcast_in_dim3A_95 = vector.shape_cast %eq3A_93 : vector<128x1xi1> to vector<128x1xi1>
    %broadcast_in_dim3A_96 = vector.broadcast %broadcast_in_dim3A_95 : vector<128x1xi1> to vector<128x128xi1>
    %broadcast_in_dim3A_97 = vector.broadcast %jit3A_94 : f32 to vector<128x128xf32>
    %select_n3A_98 = arith.select %broadcast_in_dim3A_96, %get3A_3, %broadcast_in_dim3A_97 : vector<128x128xi1>, vector<128x128xf32>
    %reduce_max3A_99 = arith.constant dense<0xFF800000> : vector<128xf32>
    %reduce_max3A_100 = vector.multi_reduction <maximumf>, %select_n3A_98, %reduce_max3A_99 [0] : vector<128x128xf32> to vector<128xf32>
    %broadcast_in_dim3A_101 = vector.shape_cast %reduce_max3A_100 : vector<128xf32> to vector<1x128xf32>
    %get3A_102 = arith.constant 5 : index
    %get3A_103 = arith.constant 0 : index
    %get3A_104 = vector.load %arg6[%get3A_102, %get3A_103] : memref<8x128xf32, #tpu.memory_space<vmem>>, vector<1x128xf32>
    %max3A_105 = arith.maximumf %get3A_104, %broadcast_in_dim3A_101 : vector<1x128xf32>
    %swap3A_106 = arith.constant 5 : index
    %swap3A_107 = arith.constant 0 : index
    %swap3A_108 = vector.load %arg6[%swap3A_106, %swap3A_107] : memref<8x128xf32, #tpu.memory_space<vmem>>, vector<1x128xf32>
    tpu.vector_store %arg6[%swap3A_106, %swap3A_107], %max3A_105 {strides = array<i32>} : memref<8x128xf32, #tpu.memory_space<vmem>>, vector<1x128xf32>,
    %eq3A_109 = arith.constant 6.000000e+00 : f32
    %eq3A_110 = vector.broadcast %eq3A_109 : f32 to vector<128x1xf32>
    %eq3A_111 = arith.cmpf oeq, %get3A_6, %eq3A_110 : vector<128x1xf32>
    %jit3A_112 = arith.constant 0xFF800000 : f32
    %broadcast_in_dim3A_113 = vector.shape_cast %eq3A_111 : vector<128x1xi1> to vector<128x1xi1>
    %broadcast_in_dim3A_114 = vector.broadcast %broadcast_in_dim3A_113 : vector<128x1xi1> to vector<128x128xi1>
    %broadcast_in_dim3A_115 = vector.broadcast %jit3A_112 : f32 to vector<128x128xf32>
    %select_n3A_116 = arith.select %broadcast_in_dim3A_114, %get3A_3, %broadcast_in_dim3A_115 : vector<128x128xi1>, vector<128x128xf32>
    %reduce_max3A_117 = arith.constant dense<0xFF800000> : vector<128xf32>
    %reduce_max3A_118 = vector.multi_reduction <maximumf>, %select_n3A_116, %reduce_max3A_117 [0] : vector<128x128xf32> to vector<128xf32>
    %broadcast_in_dim3A_119 = vector.shape_cast %reduce_max3A_118 : vector<128xf32> to vector<1x128xf32>
    %get3A_120 = arith.constant 6 : index
    %get3A_121 = arith.constant 0 : index
    %get3A_122 = vector.load %arg6[%get3A_120, %get3A_121] : memref<8x128xf32, #tpu.memory_space<vmem>>, vector<1x128xf32>
    %max3A_123 = arith.maximumf %get3A_122, %broadcast_in_dim3A_119 : vector<1x128xf32>
    %swap3A_124 = arith.constant 6 : index
    %swap3A_125 = arith.constant 0 : index
    %swap3A_126 = vector.load %arg6[%swap3A_124, %swap3A_125] : memref<8x128xf32, #tpu.memory_space<vmem>>, vector<1x128xf32>
    tpu.vector_store %arg6[%swap3A_124, %swap3A_125], %max3A_123 {strides = array<i32>} : memref<8x128xf32, #tpu.memory_space<vmem>>, vector<1x128xf32>,
    %eq3A_127 = arith.constant 7.000000e+00 : f32
    %eq3A_128 = vector.broadcast %eq3A_127 : f32 to vector<128x1xf32>
    %eq3A_129 = arith.cmpf oeq, %get3A_6, %eq3A_128 : vector<128x1xf32>
    %jit3A_130 = arith.constant 0xFF800000 : f32
    %broadcast_in_dim3A_131 = vector.shape_cast %eq3A_129 : vector<128x1xi1> to vector<128x1xi1>
    %broadcast_in_dim3A_132 = vector.broadcast %broadcast_in_dim3A_131 : vector<128x1xi1> to vector<128x128xi1>
    %broadcast_in_dim3A_133 = vector.broadcast %jit3A_130 : f32 to vector<128x128xf32>
    %select_n3A_134 = arith.select %broadcast_in_dim3A_132, %get3A_3, %broadcast_in_dim3A_133 : vector<128x128xi1>, vector<128x128xf32>
    %reduce_max3A_135 = arith.constant dense<0xFF800000> : vector<128xf32>
    %reduce_max3A_136 = vector.multi_reduction <maximumf>, %select_n3A_134, %reduce_max3A_135 [0] : vector<128x128xf32> to vector<128xf32>
    %broadcast_in_dim3A_137 = vector.shape_cast %reduce_max3A_136 : vector<128xf32> to vector<1x128xf32>
    %get3A_138 = arith.constant 7 : index
    %get3A_139 = arith.constant 0 : index
    %get3A_140 = vector.load %arg6[%get3A_138, %get3A_139] : memref<8x128xf32, #tpu.memory_space<vmem>>, vector<1x128xf32>
    %max3A_141 = arith.maximumf %get3A_140, %broadcast_in_dim3A_137 : vector<1x128xf32>
    %swap3A_142 = arith.constant 7 : index
    %swap3A_143 = arith.constant 0 : index
    %swap3A_144 = vector.load %arg6[%swap3A_142, %swap3A_143] : memref<8x128xf32, #tpu.memory_space<vmem>>, vector<1x128xf32>
    tpu.vector_store %arg6[%swap3A_142, %swap3A_143], %max3A_141 {strides = array<i32>} : memref<8x128xf32, #tpu.memory_space<vmem>>, vector<1x128xf32>,
    %eq3A_145 = arith.constant 79 : i32
    %eq3A_146 = arith.cmpi eq, %arg0, %eq3A_145 : i32
    %convert_element_type3A_147 = arith.extui %eq3A_146 : i1 to i32
    %cond3A_148 = arith.constant 0 : i32
    %cond3A_149 = arith.cmpi ne, %convert_element_type3A_147, %cond3A_148 : i32
    scf.if %cond3A_149 {
      %get3A_150 = arith.constant 0 : index
      %get3A_151 = arith.constant 0 : index
      %get3A_152 = vector.load %arg6[%get3A_150, %get3A_151] : memref<8x128xf32, #tpu.memory_space<vmem>>, vector<8x128xf32>
      %get3A_153 = arith.constant 0 : index
      %get3A_154 = arith.constant 0 : index
      %get3A_155 = vector.load %arg3[%get3A_153, %get3A_154] : memref<128x40xf32, #tpu.memory_space<vmem>>, vector<128x40xf32>
      %dot_general3A = arith.constant dense<0.000000e+00> : vector<8x40xf32>
      %dot_general3A_156 = tpu.matmul %get3A_152, %get3A_155, %dot_general3A {dimension_numbers = #tpu.dot_dimension_numbers<[1], [0], [0], [1], [0, 0, 1, 1], [], []>, transpose_lhs_hint = false} : vector<8x128xf32>, vector<128x40xf32>, vector<8x40xf32> -> vector<8x40xf32>
      %get3A_157 = arith.constant 0 : index
      %get3A_158 = arith.constant 0 : index
      %get3A_159 = vector.load %arg4[%get3A_157, %get3A_158] : memref<1x40xf32, #tpu.memory_space<vmem>>, vector<1x40xf32>
      %add3A = vector.broadcast %get3A_159 : vector<1x40xf32> to vector<8x40xf32>
      %add3A_160 = arith.addf %dot_general3A_156, %add3A : vector<8x40xf32>
      %swap3A_161 = arith.constant 0 : index
      %swap3A_162 = arith.constant 0 : index
      %swap3A_163 = vector.load %arg5[%swap3A_161, %swap3A_162] : memref<8x40xf32, #tpu.memory_space<vmem>>, vector<8x40xf32>
      tpu.vector_store %arg5[%swap3A_161, %swap3A_162], %add3A_160 {strides = array<i32>} : memref<8x40xf32, #tpu.memory_space<vmem>>, vector<8x40xf32>,
    } else {
    }
    return
  }
  func.func @transform_0(%arg0: i32) -> (i32, i32) {
    %c0_i32 = arith.constant 0 : i32
    %c0_i32_0 = arith.constant 0 : i32
    return %arg0, %c0_i32 : i32, i32
  }
  func.func @transform_1(%arg0: i32) -> (i32, i32) {
    %c0_i32 = arith.constant 0 : i32
    %c0_i32_0 = arith.constant 0 : i32
    return %arg0, %c0_i32 : i32, i32
  }
  func.func @transform_2(%arg0: i32) -> (i32, i32) {
    %c0_i32 = arith.constant 0 : i32
    %c0_i32_0 = arith.constant 0 : i32
    %c0_i32_1 = arith.constant 0 : i32
    return %c0_i32, %c0_i32_0 : i32, i32
  }
  func.func @transform_3(%arg0: i32) -> (i32, i32) {
    %c0_i32 = arith.constant 0 : i32
    %c0_i32_0 = arith.constant 0 : i32
    %c0_i32_1 = arith.constant 0 : i32
    return %c0_i32, %c0_i32_0 : i32, i32
  }
  func.func @transform_4(%arg0: i32) -> (i32, i32) {
    %c0_i32 = arith.constant 0 : i32
    %c0_i32_0 = arith.constant 0 : i32
    %c0_i32_1 = arith.constant 0 : i32
    return %c0_i32, %c0_i32_0 : i32, i32
  }
}

</mosaic_0001>

<sc_bundles>
// kernel: kernel.10.cloned.1.call-start
scs
__scs_entry_jumppad:
0x0: {  	(pc) =	sbr.rel $0x88, $3  }
0x1: {  	(tag) =	ssettag $0x0;
	lr =	simm.s32 $0x1  }
0x2: {  	[smem:$0x3F90] =	sst lr;
	_ =	strace $0xD0000000  }
0x3: {  	_ = 	snop  }
0x4: {  	_ = 	snop  }
0x5: {  	_ = 	snop  }
0x6: {  	_ = 	snop  }
0x7: {  	_ = 	snop  }
__scs_overlays_trampoline_lowered:
0x8: {  	[smem:$0x3F9F] =	sst s0  }
0x9: {  	[smem:$0x3FA0] =	sst s1  }
0xa: {  	[smem:$0x3FA1] =	sst s2  }
0xb: {  	[smem:$0x3FA2] =	sst s3  }
0xc: {  	[smem:$0x3FA3] =	sst s4  }
0xd: {  	[smem:$0x3FA4] =	sst s5  }
0xe: {  	[smem:$0x3FA5] =	sst s6  }
0xf: {  	[smem:$0x3FA6] =	sst s7  }
0x10: {  	[smem:$0x3FA7] =	sst s8  }
0x11: {  	[smem:$0x3FA8] =	sst s9;
	s0 =	simm.s32 @!p0 $0x0  }
0x12: {  	s1 =	sld [smem:$0x3F8E];
	s0 =	simm.s32 @p0 $0x1  }
0x13: {  	[smem:$0x3FA9] =	sst s0;
	s0 =	simm.s32 @!p1 $0x0  }
0x14: {  	s2 =	sld [smem:$0x3F8D];
	s0 =	simm.s32 @p1 $0x1  }
0x15: {  	[smem:$0x3FAA] =	sst s0;
	s0 =	simm.s32 @!p2 $0x0  }
0x16: {  	s3 =	sld [smem:$0x3FDB];
	s0 =	simm.s32 @p2 $0x1  }
0x17: {  	s4 =	simm.s32 $0x1BF5;
	[smem:$0x3FAC] =	sst s0  }
0x18: {  	s0 =	sld [smem:$0x3F8F];
	_ =	swait.ge [sflag:s4], $0x0  }
0x19: {  	s7 =	sld [smem:$0x3F90]  }
0x1a: {  	s8 =	sadd.s32 $0xFFFFE003, lr  }
0x1b: {  	s9 =	sadd.s32 $0xFFFFFEF7, lr;
	s5 =	simm.s32 $0xFFFFFFFF;
	p2 =	slt.u32 s8, $0xFFFFF086  }
0x1c: {  	p1 =	slt.u32 s9, $0xF7A;
	s5 =	simm.s32 @!p2 $0x0  }
0x1d: {  	s5 =	simm.s32 @p1 $0x1;
	p0 =	seq.s32 s7, s2  }
0x1e: {  	s7 =	smul.u32 @!p0 $0xF7A, s2;
	p2 =	seq.s32 @!p0 s5, $0x0  }
0x1f: {  	s9 =	smul.u32 $0xF7A, s1;
	s8 =	simm.s32 @!p0 $0x1BF5;
	p2 =	por !p2, p0  }
0x20: {  	[sflag:s8] =	ssyncset.s32 @!p0 $0xFFFFF086;
	s6 =	sadd.s32 @!p0 s3, s7;
	s7 =	simm.s32 @!p0 $0x108  }
0x21: {  	s3 =	sadd.s32 s3, s9;
	s6 =	sadd.s32 @!p0 $0x88, s6;
	s7 =	simm.s32 @p2 $0x1082  }
0x22: {  	[simem:s7], [sflag:s8] =	dma.local @!p0 [hbm:s6], $0xF7A  }
0x23: {  	s9 =	sor.u32 $0xD0000000, s2;
	s6 =	simm.s32 $0x108;
	_ =	swait.ge @!p0 [sflag:s8], $0x0  }
0x24: {  	s3 =	sadd.s32 $0x88, s3;
	s6 =	simm.s32 @!p1 $0x1082;
	[sflag:s4] =	ssyncset.s32 $0xFFFFF086  }
0x25: {  	[simem:s6], [sflag:s4] =	dma.local [hbm:s3], $0xF7A  }
0x26: {  	[smem:$0x3F90] =	sst s1;
	(tag) =	ssettag s2;
	_ =	strace s9  }
0x27: {  	s1 =	sld [smem:$0x3FA0]  }
0x28: {  	s2 =	sld [smem:$0x3FA1]  }
0x29: {  	s4 =	sld [smem:$0x3FA3]  }
0x2a: {  	p0 =	seq.s32 s5, $0x0;
	s5 =	sld [smem:$0x3FA4]  }
0x2b: {  	s6 =	sld [smem:$0x3FA5]  }
0x2c: {  	s7 =	sld [smem:$0x3FA6]  }
0x2d: {  	s3 =	simm.s32 $0x108;
	s8 =	sld [smem:$0x3FA7]  }
0x2e: {  	s3 =	simm.s32 @!p0 $0x1082;
	s9 =	sld [smem:$0x3FA8]  }
0x2f: {  	lr =	sadd.s32 s0, s3;
	s0 =	sld [smem:$0x3F9F]  }
0x30: {  	s3 =	sld [smem:$0x3FA2]  }
0x31: {  	[smem:$0x3FAB] =	sst s10  }
0x32: {  	s10 =	sld [smem:$0x3FA9];
	_ =	sdelay $0x3  }
0x33: {  	p0 =	seq.s32 s10, $0x1;
	s10 =	sld [smem:$0x3FAB];
	_ =	sdelay $0x3  }
0x34: {  	[smem:$0x3FAB] =	sst s10  }
0x35: {  	s10 =	sld [smem:$0x3FAA];
	_ =	sdelay $0x3  }
0x36: {  	p1 =	seq.s32 s10, $0x1;
	s10 =	sld [smem:$0x3FAB];
	_ =	sdelay $0x3  }
0x37: {  	[smem:$0x3FAB] =	sst s10  }
0x38: {  	s10 =	sld [smem:$0x3FAC]  }
0x39: {  	_ = 	snop;
	(pc) =	sbr.ind lr, $3  }
0x3a: {  	_ = 	snop  }
0x3b: {  	_ = 	snop  }
0x3c: {  	p2 =	seq.s32 s10, $0x1;
	s10 =	sld [smem:$0x3FAB]  }
0x3d: {  	_ =	shalt  }
0x3e: {  	_ =	shalt  }
0x3f: {  	_ =	shalt  }
0x40: {  	_ =	shalt  }
0x41: {  	_ =	shalt  }
0x42: {  	_ =	shalt  }
0x43: {  	_ =	shalt  }
0x44: {  	_ =	shalt  }
0x45: {  	_ =	shalt  }
0x46: {  	_ =	shalt  }
0x47: {  	_ =	shalt  }
0x48: {  	_ =	shalt  }
0x49: {  	_ =	shalt  }
0x4a: {  	_ =	shalt  }
0x4b: {  	_ =	shalt  }
0x4c: {  	_ =	shalt  }
0x4d: {  	_ =	shalt  }
0x4e: {  	_ =	shalt  }
0x4f: {  	_ =	shalt  }
0x50: {  	_ =	shalt  }
0x51: {  	_ =	shalt  }
0x52: {  	_ =	shalt  }
0x53: {  	_ =	shalt  }
0x54: {  	_ =	shalt  }
0x55: {  	_ =	shalt  }
0x56: {  	_ =	shalt  }
0x57: {  	_ =	shalt  }
0x58: {  	_ =	shalt  }
0x59: {  	_ =	shalt  }
0x5a: {  	_ =	shalt  }
0x5b: {  	_ =	shalt  }
0x5c: {  	_ =	shalt  }
0x5d: {  	_ =	shalt  }
0x5e: {  	_ =	shalt  }
0x5f: {  	_ =	shalt  }
0x60: {  	_ =	shalt  }
0x61: {  	_ =	shalt  }
0x62: {  	_ =	shalt  }
0x63: {  	_ =	shalt  }
0x64: {  	_ =	shalt  }
0x65: {  	_ =	shalt  }
0x66: {  	_ =	shalt  }
0x67: {  	_ =	shalt  }
0x68: {  	_ =	shalt  }
0x69: {  	_ =	shalt  }
0x6a: {  	_ =	shalt  }
0x6b: {  	_ =	shalt  }
0x6c: {  	_ =	shalt  }
0x6d: {  	_ =	shalt  }
0x6e: {  	_ =	shalt  }
0x6f: {  	_ =	shalt  }
0x70: {  	_ =	shalt  }
0x71: {  	_ =	shalt  }
0x72: {  	_ =	shalt  }
0x73: {  	_ =	shalt  }
0x74: {  	_ =	shalt  }
0x75: {  	_ =	shalt  }
0x76: {  	_ =	shalt  }
0x77: {  	_ =	shalt  }
0x78: {  	_ =	shalt  }
0x79: {  	_ =	shalt  }
0x7a: {  	_ =	shalt  }
0x7b: {  	_ =	shalt  }
0x7c: {  	_ =	shalt  }
0x7d: {  	_ =	shalt  }
0x7e: {  	_ =	shalt  }
0x7f: {  	_ =	shalt  }
0x80: {  	_ =	shalt  }
0x81: {  	_ =	shalt  }
0x82: {  	_ =	shalt  }
0x83: {  	_ =	shalt  }
0x84: {  	_ =	shalt  }
0x85: {  	_ =	shalt  }
0x86: {  	_ =	shalt  }
0x87: {  	_ =	shalt  }
.Lfunc_end0:
.L_simem_size_0:
called_computation_lowered:
.L_overlay_start_0:
0x88: {  	s2 =	sld [smem:$0x3FD9]  }
0x89: {  	s3 =	sld [smem:$0x3FFE];
	_ =	sdelay $0x1  }
0x8a: {  	s1 =	srdreg.scid  }
0x8b: {  	s0 =	sand.u32 $0x1, s1  }
0x8c: {  	s16 =	sshll.u32 s0, $0xA;
	s2 =	sadd.s32 s3, s2  }
0x8d: {  	s2 =	sadd.s32 s2, s16  }
0x8e: {  	[smem:$0x3FB7] =	sst s2  }
0x8f: {  	_ = 	snop  }
0x90: {  	(tm) =	ssettm $0x1  }
0x91: {  	s17 =	sld [smem:$0x3FFB];
	_ =	sdelay $0x3  }
0x92: {  	_ =	strace s17  }
0x93: {  	s2 =	sld [smem:$0x3FFC];
	_ =	sdelay $0x3  }
0x94: {  	_ =	strace s2  }
0x95: {  	s2 =	sld [smem:$0x3FFD];
	_ =	sdelay $0x3  }
0x96: {  	_ =	strace s2  }
0x97: {  	_ =	strace $0x8FFFFFFF  }
0x98: {  	s18 =	sld [smem:$0x3FDB];
	_ =	sdelay $0x1  }
0x99: {  	s19 =	simm.s32 $_scs_section_size  }
0x9a: {  	s4 =	simm.s32 $_size__tile_overlayer_lowered;
	s5 =	simm.s32 $_tile_overlayer_lowered  }
0x9b: {  	s22 =	simm.s32 $0x1BFF;
	s21 =	sshll.u32 s5, $0x1;
	s2 =	sadd.s32 s19, s18  }
0x9c: {  	s6 =	simm.s32 $0x0;
	s20 =	sshll.u32 s4, $0x1;
	s4 =	sadd.s32 s21, s2  }
0x9d: {  	[timem:s6], [sflag:s22] =	dma.local [hbm:s4], s20  }
0x9e: {  	_ =	swait.ge [sflag:s22], s20  }
0x9f: {  	s3 =	ssub.s32 $0x0, s20;
	[sflag:s22] =	ssyncset.done $0x0  }
0xa0: {  	[sflag:s22] =	ssyncadd.s32 s3;
	_ =	sdelay $0x1  }
0xa1: {  	s23 =	simm.s32 $0x1B8B  }
0xa2: {  	_ =	swait.ge [sflag:s23], $0x1  }
0xa3: {  	[sflag:s23] =	ssyncset.done $0x0  }
0xa4: {  	s25 =	simm.s32 $0x1B8E;
	s24 =	sld [smem:$0x3FFE];
	[sflag:s23] =	ssyncadd.s32 $0xFFFFFFFF  }
0xa5: {  	s26 =	simm.s32 $execute0_lowered;
	[smem:$0x3FD2] =	sst s25  }
0xa6: {  	s4 =	sshll.u32 s26, $0x1;
	_ =	strace $0x80000046;
	[dreg:$0x1] =	wrdreg $0xFFFFFFFF  }
0xa7: {  	s28 =	simm.s32 $_size_execute0_lowered;
	s2 =	sadd.s32 s2, s4;
	[dreg:$0x0] =	wrdreg $0x0  }
0xa8: {  	s4 =	sshll.u32 s28, $0x1;
	[dreg:$0x2] =	wrdreg s2  }
0xa9: {  	[dreg:$0x3] =	wrdreg s4  }
0xaa: {  	[dreg:$0x4] =	wrdreg $0xC0  }
0xab: {  	_ =	task [dreg:s6], $0x5FFFF  }
0xac: {  	[dreg:$0x1] =	wrdreg $0xFFFFFFFF  }
0xad: {  	[dreg:$0x0] =	wrdreg $0x60  }
0xae: {  	[dreg:$0x2] =	wrdreg s24  }
0xaf: {  	[dreg:$0x3] =	wrdreg $0x9  }
0xb0: {  	_ =	task.clear_ibuf [dreg:s6], $0x4FFFF;
	_ =	strace $0x90000046  }
0xb1: {  	s29 =	simm.s32 $0x9;
	_ =	strace $0x80000048  }
0xb2: {  	_ =	swait.ge [sflag:s29], $0x1  }
0xb3: {  	[sflag:s29] =	ssyncadd.s32 $0xFFFFFFFF  }
0xb4: {  	_ =	strace $0x90000048  }
0xb5: {  	_ =	sfence  }
0xb6: {  	s30 =	sld [smem:$0x0];
	_ =	sdelay $0x2  }
0xb7: {  	s31 =	sshll.u32 s1, $0xD;
	s1 =	sshrl.u32 s1, $0x2  }
0xb8: {  	s3 =	sand.u32 $0x4000, s31;
	s1 =	sadd.s32 s1, s30  }
0xb9: {  	s0 =	sor.u32 s3, s0;
	s1 =	sshll.u32 s1, $0x11  }
0xba: {  	s0 =	sor.u32 s1, s0  }
0xbb: {  	s0 =	sadd.s32 $0x8F2B, s0  }
0xbc: {  	[sflag:s0] =	ssyncadd.remote.s32 $0x1  }
0xbd: {  	_ =	sfence.sel $0xFFFF  }
0xbe: {  	[dreg:$0x0] =	wrdreg $0xFFFFFFFF;
	(pc) =	sbr.abs _section_cstart, $3  }
0xbf: {  	[dreg:$0x1] =	wrdreg $0xFFFFFFFF  }
0xc0: {  	_ =	task.clear_ibuf [dreg:s6], $0x2FFFF;
	_ =	strace $0x9FFFFFFF  }
0xc1: {  	(tm) =	ssettm $0x7FFFFFFF  }
tec
execute0_lowered:
.L_overlay_start_1:
0x0: {  	(tag) =	ssettag $0x1  }
0x1: {  	s4 =	rddreg [dreg:$0x0]  }
0x2: {  	s0 =	rddreg [dreg:$0x1]  }
0x3: {  	s3 =	srdreg.scid;
	s1 =	stileid.u32;
	s2 =	simm.s32 $0x0  }
0x4: {  	s11 =	simm.s32 $0x0;
	s5 =	sand.u32 $0x1, s3;
	s28 =	sshll.u32 s1, $0x1  }
0x5: {  	[smem:$0x7FF] =	sst s2;
	s7 =	smul.u32 $0x28000, s1;
	s3 =	sor.u32 s5, s28  }
0x6: {  	_ =	strace $0x80000047;
	s8 =	ssub.s32 $0x2, s5;
	s10 =	smul.u32 $0x14000, s5  }
0x7: {  	s6 =	smul.u32 $0x1400, s3;
	s3 =	sadd.s32 $0x2B400, s4;
	s9 =	sshrl.u32 s8, $0x1  }
0x8: {  	s30 =	sadd.s32 s7, s4;
	s7 =	simm.s32 $0x2;
	s31 =	ssub.s32 s8, s9  }
0x9: {  	s8 =	simm.s32 $0x80;
	s9 =	simm.s32 $0x1400;
	s6 =	sshrl.u32 s6, $0x3  }
0xa: {  	s5 =	smax.u32 s31, $0x1;
	s29 =	sadd.s32 s6, s4;
	s6 =	sadd.s32 s10, s30  }
0xb: {  	s10 =	simm.s32 $0x1;
	s4 =	sadd.s32 $0x53400, s29;
	s6 =	sadd.s32 $0x58400, s6  }
.LBB2_1:
0xc: {  	[tilespmem:s2], [sflag:$0x2] =	stream.linear.gather [hbm4b:s4+s2], $0x1400, $0x38;
	[tilespmem:$0x5400] =	vst v63  }
0xd: {  	_ =	swait.ge [sflag:s7], $0x1400  }
0xe: {  	[sflag:s7] =	ssyncset.done $0x0  }
0xf: {  	s12 =	simm.s32 $0x0;
	[sflag:s7] =	ssyncadd.s32 $0xFFFFEC00  }
0x10: {  	[tilespmem:s9], [sflag:$0x1] =	stream.indirect.gather [hbm4b:s3+s8], $0x80, s12, s8, $0xb8;
	[tilespmem:$0x5400] =	vst v63  }
0x11: {  	_ =	swait.ge [sflag:s10], $0x4000  }
0x12: {  	[sflag:s10] =	ssyncset.done $0x0  }
0x13: {  	[sflag:s10] =	ssyncadd.s32 $0xFFFFC000  }
0x14: {  	[hbm4b:s6+s2] =	stream.linear.scatter [tilespmem:s9], [sflag:$0x2], $0x4000, $0x38;
	[tilespmem:$0x5400] =	vst v63  }
0x15: {  	s13 =	simm.s32 $0x200;
	_ =	swait.ge [sflag:s7], $0x4000  }
0x16: {  	s14 =	simm.s32 $0x400;
	s12 =	sadd.s32 $0x800, s6;
	[sflag:s7] =	ssyncset.done $0x0  }
.LBB2_2:
0x17: {  	s15 =	sshra.s32 s13, $0x2  }
0x18: {  	[sflag:s7] =	ssyncadd.s32 $0xFFFFC000;
	s13 =	smov.u32 s14;
	s16 =	sadd.s32 $0x200, s14  }
0x19: {  	[tilespmem:s9], [sflag:$0x1] =	stream.indirect.gather [hbm4b:s3+s8], $0x80, s15, s8, $0xb8;
	[tilespmem:$0x5400] =	vst v63  }
0x1a: {  	p0 =	sne.s32 s14, $0x4E00;
	_ =	swait.ge [sflag:s10], $0x4000  }
.Ltmp0:
0x1b: {  	[sflag:s10] =	ssyncset.done $0x0;
	(pc) =	sbr.rel @p0 .LBB2_2-.Ltmp0, $4  }
0x1c: {  	[sflag:s10] =	ssyncadd.s32 $0xFFFFC000  }
0x1d: {  	[hbm4b:s12+s2] =	stream.linear.scatter [tilespmem:s9], [sflag:$0x2], $0x4000, $0x38;
	[tilespmem:$0x5400] =	vst v63  }
0x1e: {  	_ =	swait.ge [sflag:s7], $0x4000  }
0x1f: {  	s14 =	smov.u32 s16;
	s12 =	sadd.s32 $0x800, s12;
	[sflag:s7] =	ssyncset.done $0x0  }
0x20: {  	s13 =	sshra.s32 s13, $0x2;
	[sflag:s7] =	ssyncadd.s32 $0xFFFFC000  }
0x21: {  	[tilespmem:s9], [sflag:$0x1] =	stream.indirect.gather [hbm4b:s3+s8], $0x80, s13, s8, $0xb8;
	[tilespmem:$0x5400] =	vst v63  }
0x22: {  	s11 =	sadd.s32 $0x1, s11;
	_ =	swait.ge [sflag:s10], $0x4000  }
0x23: {  	p0 =	sne.s32 s11, s5;
	[sflag:s10] =	ssyncset.done $0x0  }
.Ltmp1:
0x24: {  	[sflag:s10] =	ssyncadd.s32 $0xFFFFC000;
	(pc) =	sbr.rel @p0 .LBB2_1-.Ltmp1, $4  }
0x25: {  	[hbm4b:s12+s2] =	stream.linear.scatter [tilespmem:s9], [sflag:$0x2], $0x4000, $0x38;
	[tilespmem:$0x5400] =	vst v63  }
0x26: {  	_ =	swait.ge [sflag:s7], $0x4000  }
0x27: {  	[sflag:s7] =	ssyncset.done $0x0  }
0x28: {  	[sflag:s7] =	ssyncadd.s32 $0xFFFFC000  }
0x29: {  	_ =	sfence.sel $0x180000  }
0x2a: {  	[bflag:$0x0] =	sbarrier.arrive $0xFFFF  }
0x2b: {  	p0 =	sne.s32 s1, $0x0;
	_ =	strace $0x90000047  }
0x2c: {  	s0 =	sadd.s32 @!p0 $0x100000, s0;
	[bflag:$0x2] =	sbarrier.arrive $0xFFFF  }
0x2d: {  	[sflag:s0] =	ssyncadd.tile.s32 @!p0 $0x1;
	_ =	shalt  }
.Lfunc_end2:
_tile_overlayer_lowered:
.L_overlay_start_2:
0x2e: {  	(tag) =	ssettag $0x2  }
0x2f: {  	s0 =	rddreg [dreg:$0x0];
	s2 =	stileid.u32  }
0x30: {  	s1 =	rddreg [dreg:$0x1];
	p0 =	sne.s32 s2, $0x0  }
0x31: {  	s3 =	rddreg [dreg:$0x2];
	[bflag:$0x3] =	sbarrier.arrive $0xFFFF;
	s2 =	simm.s32 @!p0 $0x1C02  }
0x32: {  	[timem:s3], [sflag:s2] =	dma.local @!p0 [hbm:s0], s1  }
0x33: {  	s0 =	simm.s32 @!p0 $0x2  }
0x34: {  	_ =	swait.ge @!p0 [sflag:s0], s1  }
0x35: {  	s1 =	ssub.s32 @!p0 $0x0, s1;
	[sflag:s0] =	ssyncset.done @!p0 $0x0  }
0x36: {  	[sflag:s0] =	ssyncadd.s32 @!p0 s1  }
0x37: {  	[bflag:$0x3] =	sbarrier.arrive $0xFFFF  }
0x38: {  	_ =	shalt  }

// kernel: kernel.13.cloned.1.call-start
scs
__scs_entry_jumppad:
0x0: {  	(pc) =	sbr.rel $0x88, $3  }
0x1: {  	(tag) =	ssettag $0x0;
	lr =	simm.s32 $0x1  }
0x2: {  	[smem:$0x3F90] =	sst lr;
	_ =	strace $0xD0000000  }
0x3: {  	_ = 	snop  }
0x4: {  	_ = 	snop  }
0x5: {  	_ = 	snop  }
0x6: {  	_ = 	snop  }
0x7: {  	_ = 	snop  }
__scs_overlays_trampoline_lowered:
0x8: {  	[smem:$0x3F9F] =	sst s0  }
0x9: {  	[smem:$0x3FA0] =	sst s1  }
0xa: {  	[smem:$0x3FA1] =	sst s2  }
0xb: {  	[smem:$0x3FA2] =	sst s3  }
0xc: {  	[smem:$0x3FA3] =	sst s4  }
0xd: {  	[smem:$0x3FA4] =	sst s5  }
0xe: {  	[smem:$0x3FA5] =	sst s6  }
0xf: {  	[smem:$0x3FA6] =	sst s7  }
0x10: {  	[smem:$0x3FA7] =	sst s8  }
0x11: {  	[smem:$0x3FA8] =	sst s9;
	s0 =	simm.s32 @!p0 $0x0  }
0x12: {  	s1 =	sld [smem:$0x3F8E];
	s0 =	simm.s32 @p0 $0x1  }
0x13: {  	[smem:$0x3FA9] =	sst s0;
	s0 =	simm.s32 @!p1 $0x0  }
0x14: {  	s2 =	sld [smem:$0x3F8D];
	s0 =	simm.s32 @p1 $0x1  }
0x15: {  	[smem:$0x3FAA] =	sst s0;
	s0 =	simm.s32 @!p2 $0x0  }
0x16: {  	s3 =	sld [smem:$0x3FDB];
	s0 =	simm.s32 @p2 $0x1  }
0x17: {  	s4 =	simm.s32 $0x1BF5;
	[smem:$0x3FAC] =	sst s0  }
0x18: {  	s0 =	sld [smem:$0x3F8F];
	_ =	swait.ge [sflag:s4], $0x0  }
0x19: {  	s7 =	sld [smem:$0x3F90]  }
0x1a: {  	s8 =	sadd.s32 $0xFFFFE003, lr  }
0x1b: {  	s9 =	sadd.s32 $0xFFFFFEF7, lr;
	s5 =	simm.s32 $0xFFFFFFFF;
	p2 =	slt.u32 s8, $0xFFFFF086  }
0x1c: {  	p1 =	slt.u32 s9, $0xF7A;
	s5 =	simm.s32 @!p2 $0x0  }
0x1d: {  	s5 =	simm.s32 @p1 $0x1;
	p0 =	seq.s32 s7, s2  }
0x1e: {  	s7 =	smul.u32 @!p0 $0xF7A, s2;
	p2 =	seq.s32 @!p0 s5, $0x0  }
0x1f: {  	s9 =	smul.u32 $0xF7A, s1;
	s8 =	simm.s32 @!p0 $0x1BF5;
	p2 =	por !p2, p0  }
0x20: {  	[sflag:s8] =	ssyncset.s32 @!p0 $0xFFFFF086;
	s6 =	sadd.s32 @!p0 s3, s7;
	s7 =	simm.s32 @!p0 $0x108  }
0x21: {  	s3 =	sadd.s32 s3, s9;
	s6 =	sadd.s32 @!p0 $0x88, s6;
	s7 =	simm.s32 @p2 $0x1082  }
0x22: {  	[simem:s7], [sflag:s8] =	dma.local @!p0 [hbm:s6], $0xF7A  }
0x23: {  	s9 =	sor.u32 $0xD0000000, s2;
	s6 =	simm.s32 $0x108;
	_ =	swait.ge @!p0 [sflag:s8], $0x0  }
0x24: {  	s3 =	sadd.s32 $0x88, s3;
	s6 =	simm.s32 @!p1 $0x1082;
	[sflag:s4] =	ssyncset.s32 $0xFFFFF086  }
0x25: {  	[simem:s6], [sflag:s4] =	dma.local [hbm:s3], $0xF7A  }
0x26: {  	[smem:$0x3F90] =	sst s1;
	(tag) =	ssettag s2;
	_ =	strace s9  }
0x27: {  	s1 =	sld [smem:$0x3FA0]  }
0x28: {  	s2 =	sld [smem:$0x3FA1]  }
0x29: {  	s4 =	sld [smem:$0x3FA3]  }
0x2a: {  	p0 =	seq.s32 s5, $0x0;
	s5 =	sld [smem:$0x3FA4]  }
0x2b: {  	s6 =	sld [smem:$0x3FA5]  }
0x2c: {  	s7 =	sld [smem:$0x3FA6]  }
0x2d: {  	s3 =	simm.s32 $0x108;
	s8 =	sld [smem:$0x3FA7]  }
0x2e: {  	s3 =	simm.s32 @!p0 $0x1082;
	s9 =	sld [smem:$0x3FA8]  }
0x2f: {  	lr =	sadd.s32 s0, s3;
	s0 =	sld [smem:$0x3F9F]  }
0x30: {  	s3 =	sld [smem:$0x3FA2]  }
0x31: {  	[smem:$0x3FAB] =	sst s10  }
0x32: {  	s10 =	sld [smem:$0x3FA9];
	_ =	sdelay $0x3  }
0x33: {  	p0 =	seq.s32 s10, $0x1;
	s10 =	sld [smem:$0x3FAB];
	_ =	sdelay $0x3  }
0x34: {  	[smem:$0x3FAB] =	sst s10  }
0x35: {  	s10 =	sld [smem:$0x3FAA];
	_ =	sdelay $0x3  }
0x36: {  	p1 =	seq.s32 s10, $0x1;
	s10 =	sld [smem:$0x3FAB];
	_ =	sdelay $0x3  }
0x37: {  	[smem:$0x3FAB] =	sst s10  }
0x38: {  	s10 =	sld [smem:$0x3FAC]  }
0x39: {  	_ = 	snop;
	(pc) =	sbr.ind lr, $3  }
0x3a: {  	_ = 	snop  }
0x3b: {  	_ = 	snop  }
0x3c: {  	p2 =	seq.s32 s10, $0x1;
	s10 =	sld [smem:$0x3FAB]  }
0x3d: {  	_ =	shalt  }
0x3e: {  	_ =	shalt  }
0x3f: {  	_ =	shalt  }
0x40: {  	_ =	shalt  }
0x41: {  	_ =	shalt  }
0x42: {  	_ =	shalt  }
0x43: {  	_ =	shalt  }
0x44: {  	_ =	shalt  }
0x45: {  	_ =	shalt  }
0x46: {  	_ =	shalt  }
0x47: {  	_ =	shalt  }
0x48: {  	_ =	shalt  }
0x49: {  	_ =	shalt  }
0x4a: {  	_ =	shalt  }
0x4b: {  	_ =	shalt  }
0x4c: {  	_ =	shalt  }
0x4d: {  	_ =	shalt  }
0x4e: {  	_ =	shalt  }
0x4f: {  	_ =	shalt  }
0x50: {  	_ =	shalt  }
0x51: {  	_ =	shalt  }
0x52: {  	_ =	shalt  }
0x53: {  	_ =	shalt  }
0x54: {  	_ =	shalt  }
0x55: {  	_ =	shalt  }
0x56: {  	_ =	shalt  }
0x57: {  	_ =	shalt  }
0x58: {  	_ =	shalt  }
0x59: {  	_ =	shalt  }
0x5a: {  	_ =	shalt  }
0x5b: {  	_ =	shalt  }
0x5c: {  	_ =	shalt  }
0x5d: {  	_ =	shalt  }
0x5e: {  	_ =	shalt  }
0x5f: {  	_ =	shalt  }
0x60: {  	_ =	shalt  }
0x61: {  	_ =	shalt  }
0x62: {  	_ =	shalt  }
0x63: {  	_ =	shalt  }
0x64: {  	_ =	shalt  }
0x65: {  	_ =	shalt  }
0x66: {  	_ =	shalt  }
0x67: {  	_ =	shalt  }
0x68: {  	_ =	shalt  }
0x69: {  	_ =	shalt  }
0x6a: {  	_ =	shalt  }
0x6b: {  	_ =	shalt  }
0x6c: {  	_ =	shalt  }
0x6d: {  	_ =	shalt  }
0x6e: {  	_ =	shalt  }
0x6f: {  	_ =	shalt  }
0x70: {  	_ =	shalt  }
0x71: {  	_ =	shalt  }
0x72: {  	_ =	shalt  }
0x73: {  	_ =	shalt  }
0x74: {  	_ =	shalt  }
0x75: {  	_ =	shalt  }
0x76: {  	_ =	shalt  }
0x77: {  	_ =	shalt  }
0x78: {  	_ =	shalt  }
0x79: {  	_ =	shalt  }
0x7a: {  	_ =	shalt  }
0x7b: {  	_ =	shalt  }
0x7c: {  	_ =	shalt  }
0x7d: {  	_ =	shalt  }
0x7e: {  	_ =	shalt  }
0x7f: {  	_ =	shalt  }
0x80: {  	_ =	shalt  }
0x81: {  	_ =	shalt  }
0x82: {  	_ =	shalt  }
0x83: {  	_ =	shalt  }
0x84: {  	_ =	shalt  }
0x85: {  	_ =	shalt  }
0x86: {  	_ =	shalt  }
0x87: {  	_ =	shalt  }
.Lfunc_end0:
.L_simem_size_0:
called_computation.1_lowered:
.L_overlay_start_0:
0x88: {  	s2 =	sld [smem:$0x3FD9]  }
0x89: {  	s3 =	sld [smem:$0x3FFE];
	_ =	sdelay $0x1  }
0x8a: {  	s1 =	srdreg.scid  }
0x8b: {  	s0 =	sand.u32 $0x1, s1  }
0x8c: {  	s16 =	sshll.u32 s0, $0xA;
	s2 =	sadd.s32 s3, s2  }
0x8d: {  	s2 =	sadd.s32 s2, s16  }
0x8e: {  	[smem:$0x3FB7] =	sst s2  }
0x8f: {  	_ = 	snop  }
0x90: {  	(tm) =	ssettm $0x1  }
0x91: {  	s17 =	sld [smem:$0x3FFB];
	_ =	sdelay $0x3  }
0x92: {  	_ =	strace s17  }
0x93: {  	s2 =	sld [smem:$0x3FFC];
	_ =	sdelay $0x3  }
0x94: {  	_ =	strace s2  }
0x95: {  	s2 =	sld [smem:$0x3FFD];
	_ =	sdelay $0x3  }
0x96: {  	_ =	strace s2  }
0x97: {  	_ =	strace $0x8FFFFFFF  }
0x98: {  	s18 =	sld [smem:$0x3FDB];
	_ =	sdelay $0x1  }
0x99: {  	s19 =	simm.s32 $_scs_section_size  }
0x9a: {  	s4 =	simm.s32 $_size__tile_overlayer_lowered;
	s5 =	simm.s32 $_tile_overlayer_lowered  }
0x9b: {  	s22 =	simm.s32 $0x1BFF;
	s21 =	sshll.u32 s5, $0x1;
	s2 =	sadd.s32 s19, s18  }
0x9c: {  	s6 =	simm.s32 $0x0;
	s20 =	sshll.u32 s4, $0x1;
	s4 =	sadd.s32 s21, s2  }
0x9d: {  	[timem:s6], [sflag:s22] =	dma.local [hbm:s4], s20  }
0x9e: {  	_ =	swait.ge [sflag:s22], s20  }
0x9f: {  	s3 =	ssub.s32 $0x0, s20;
	[sflag:s22] =	ssyncset.done $0x0  }
0xa0: {  	[sflag:s22] =	ssyncadd.s32 s3;
	_ =	sdelay $0x1  }
0xa1: {  	s23 =	simm.s32 $0x1B8B  }
0xa2: {  	_ =	swait.ge [sflag:s23], $0x1  }
0xa3: {  	[sflag:s23] =	ssyncset.done $0x0  }
0xa4: {  	s25 =	simm.s32 $0x1B8E;
	s24 =	sld [smem:$0x3FFE];
	[sflag:s23] =	ssyncadd.s32 $0xFFFFFFFF  }
0xa5: {  	s26 =	simm.s32 $execute0_lowered;
	[smem:$0x3FD2] =	sst s25  }
0xa6: {  	s4 =	sshll.u32 s26, $0x1;
	_ =	strace $0x80000049;
	[dreg:$0x1] =	wrdreg $0xFFFFFFFF  }
0xa7: {  	s28 =	simm.s32 $_size_execute0_lowered;
	s2 =	sadd.s32 s2, s4;
	[dreg:$0x0] =	wrdreg $0x0  }
0xa8: {  	s4 =	sshll.u32 s28, $0x1;
	[dreg:$0x2] =	wrdreg s2  }
0xa9: {  	[dreg:$0x3] =	wrdreg s4  }
0xaa: {  	[dreg:$0x4] =	wrdreg $0xC0  }
0xab: {  	_ =	task [dreg:s6], $0x5FFFF  }
0xac: {  	[dreg:$0x1] =	wrdreg $0xFFFFFFFF  }
0xad: {  	[dreg:$0x0] =	wrdreg $0x60  }
0xae: {  	[dreg:$0x2] =	wrdreg s24  }
0xaf: {  	[dreg:$0x3] =	wrdreg $0x9  }
0xb0: {  	_ =	task.clear_ibuf [dreg:s6], $0x4FFFF;
	_ =	strace $0x90000049  }
0xb1: {  	s29 =	simm.s32 $0x9;
	_ =	strace $0x8000004B  }
0xb2: {  	_ =	swait.ge [sflag:s29], $0x1  }
0xb3: {  	[sflag:s29] =	ssyncadd.s32 $0xFFFFFFFF  }
0xb4: {  	_ =	strace $0x9000004B  }
0xb5: {  	_ =	sfence  }
0xb6: {  	s30 =	sld [smem:$0x0];
	_ =	sdelay $0x2  }
0xb7: {  	s31 =	sshll.u32 s1, $0xD;
	s1 =	sshrl.u32 s1, $0x2  }
0xb8: {  	s3 =	sand.u32 $0x4000, s31;
	s1 =	sadd.s32 s1, s30  }
0xb9: {  	s0 =	sor.u32 s3, s0;
	s1 =	sshll.u32 s1, $0x11  }
0xba: {  	s0 =	sor.u32 s1, s0  }
0xbb: {  	s0 =	sadd.s32 $0x8F2B, s0  }
0xbc: {  	[sflag:s0] =	ssyncadd.remote.s32 $0x1  }
0xbd: {  	_ =	sfence.sel $0xFFFF  }
0xbe: {  	[dreg:$0x0] =	wrdreg $0xFFFFFFFF;
	(pc) =	sbr.abs _section_cstart, $3  }
0xbf: {  	[dreg:$0x1] =	wrdreg $0xFFFFFFFF  }
0xc0: {  	_ =	task.clear_ibuf [dreg:s6], $0x2FFFF;
	_ =	strace $0x9FFFFFFF  }
0xc1: {  	(tm) =	ssettm $0x7FFFFFFF  }
tec
execute0_lowered:
.L_overlay_start_1:
0x0: {  	(tag) =	ssettag $0x1  }
0x1: {  	s4 =	rddreg [dreg:$0x0]  }
0x2: {  	s0 =	rddreg [dreg:$0x1]  }
0x3: {  	s3 =	srdreg.scid;
	s1 =	stileid.u32;
	s2 =	simm.s32 $0x0  }
0x4: {  	s11 =	simm.s32 $0x0;
	s5 =	sand.u32 $0x1, s3;
	s28 =	sshll.u32 s1, $0x1  }
0x5: {  	[smem:$0x7FF] =	sst s2;
	s7 =	smul.u32 $0x28000, s1;
	s3 =	sor.u32 s5, s28  }
0x6: {  	_ =	strace $0x8000004A;
	s8 =	ssub.s32 $0x2, s5;
	s10 =	smul.u32 $0x14000, s5  }
0x7: {  	s6 =	smul.u32 $0x1400, s3;
	s3 =	sadd.s32 $0x2B400, s4;
	s9 =	sshrl.u32 s8, $0x1  }
0x8: {  	s30 =	sadd.s32 s7, s4;
	s7 =	simm.s32 $0x2;
	s31 =	ssub.s32 s8, s9  }
0x9: {  	s8 =	simm.s32 $0x80;
	s9 =	simm.s32 $0x1400;
	s6 =	sshrl.u32 s6, $0x3  }
0xa: {  	s5 =	smax.u32 s31, $0x1;
	s29 =	sadd.s32 s6, s4;
	s6 =	sadd.s32 s10, s30  }
0xb: {  	s10 =	simm.s32 $0x1;
	s4 =	sadd.s32 $0x53400, s29;
	s6 =	sadd.s32 $0x58400, s6  }
.LBB2_1:
0xc: {  	[tilespmem:s2], [sflag:$0x2] =	stream.linear.gather [hbm4b:s4+s2], $0x1400, $0x38;
	[tilespmem:$0x5400] =	vst v63  }
0xd: {  	_ =	swait.ge [sflag:s7], $0x1400  }
0xe: {  	[sflag:s7] =	ssyncset.done $0x0  }
0xf: {  	s12 =	simm.s32 $0x0;
	[sflag:s7] =	ssyncadd.s32 $0xFFFFEC00  }
0x10: {  	[tilespmem:s9], [sflag:$0x1] =	stream.indirect.gather [hbm4b:s3+s8], $0x80, s12, s8, $0xb8;
	[tilespmem:$0x5400] =	vst v63  }
0x11: {  	_ =	swait.ge [sflag:s10], $0x4000  }
0x12: {  	[sflag:s10] =	ssyncset.done $0x0  }
0x13: {  	[sflag:s10] =	ssyncadd.s32 $0xFFFFC000  }
0x14: {  	[hbm4b:s6+s2] =	stream.linear.scatter [tilespmem:s9], [sflag:$0x2], $0x4000, $0x38;
	[tilespmem:$0x5400] =	vst v63  }
0x15: {  	s13 =	simm.s32 $0x200;
	_ =	swait.ge [sflag:s7], $0x4000  }
0x16: {  	s14 =	simm.s32 $0x400;
	s12 =	sadd.s32 $0x800, s6;
	[sflag:s7] =	ssyncset.done $0x0  }
.LBB2_2:
0x17: {  	s15 =	sshra.s32 s13, $0x2  }
0x18: {  	[sflag:s7] =	ssyncadd.s32 $0xFFFFC000;
	s13 =	smov.u32 s14;
	s16 =	sadd.s32 $0x200, s14  }
0x19: {  	[tilespmem:s9], [sflag:$0x1] =	stream.indirect.gather [hbm4b:s3+s8], $0x80, s15, s8, $0xb8;
	[tilespmem:$0x5400] =	vst v63  }
0x1a: {  	p0 =	sne.s32 s14, $0x4E00;
	_ =	swait.ge [sflag:s10], $0x4000  }
.Ltmp0:
0x1b: {  	[sflag:s10] =	ssyncset.done $0x0;
	(pc) =	sbr.rel @p0 .LBB2_2-.Ltmp0, $4  }
0x1c: {  	[sflag:s10] =	ssyncadd.s32 $0xFFFFC000  }
0x1d: {  	[hbm4b:s12+s2] =	stream.linear.scatter [tilespmem:s9], [sflag:$0x2], $0x4000, $0x38;
	[tilespmem:$0x5400] =	vst v63  }
0x1e: {  	_ =	swait.ge [sflag:s7], $0x4000  }
0x1f: {  	s14 =	smov.u32 s16;
	s12 =	sadd.s32 $0x800, s12;
	[sflag:s7] =	ssyncset.done $0x0  }
0x20: {  	s13 =	sshra.s32 s13, $0x2;
	[sflag:s7] =	ssyncadd.s32 $0xFFFFC000  }
0x21: {  	[tilespmem:s9], [sflag:$0x1] =	stream.indirect.gather [hbm4b:s3+s8], $0x80, s13, s8, $0xb8;
	[tilespmem:$0x5400] =	vst v63  }
0x22: {  	s11 =	sadd.s32 $0x1, s11;
	_ =	swait.ge [sflag:s10], $0x4000  }
0x23: {  	p0 =	sne.s32 s11, s5;
	[sflag:s10] =	ssyncset.done $0x0  }
.Ltmp1:
0x24: {  	[sflag:s10] =	ssyncadd.s32 $0xFFFFC000;
	(pc) =	sbr.rel @p0 .LBB2_1-.Ltmp1, $4  }
0x25: {  	[hbm4b:s12+s2] =	stream.linear.scatter [tilespmem:s9], [sflag:$0x2], $0x4000, $0x38;
	[tilespmem:$0x5400] =	vst v63  }
0x26: {  	_ =	swait.ge [sflag:s7], $0x4000  }
0x27: {  	[sflag:s7] =	ssyncset.done $0x0  }
0x28: {  	[sflag:s7] =	ssyncadd.s32 $0xFFFFC000  }
0x29: {  	_ =	sfence.sel $0x180000  }
0x2a: {  	[bflag:$0x0] =	sbarrier.arrive $0xFFFF  }
0x2b: {  	p0 =	sne.s32 s1, $0x0;
	_ =	strace $0x9000004A  }
0x2c: {  	s0 =	sadd.s32 @!p0 $0x100000, s0;
	[bflag:$0x2] =	sbarrier.arrive $0xFFFF  }
0x2d: {  	[sflag:s0] =	ssyncadd.tile.s32 @!p0 $0x1;
	_ =	shalt  }
.Lfunc_end2:
_tile_overlayer_lowered:
.L_overlay_start_2:
0x2e: {  	(tag) =	ssettag $0x2  }
0x2f: {  	s0 =	rddreg [dreg:$0x0];
	s2 =	stileid.u32  }
0x30: {  	s1 =	rddreg [dreg:$0x1];
	p0 =	sne.s32 s2, $0x0  }
0x31: {  	s3 =	rddreg [dreg:$0x2];
	[bflag:$0x3] =	sbarrier.arrive $0xFFFF;
	s2 =	simm.s32 @!p0 $0x1C02  }
0x32: {  	[timem:s3], [sflag:s2] =	dma.local @!p0 [hbm:s0], s1  }
0x33: {  	s0 =	simm.s32 @!p0 $0x2  }
0x34: {  	_ =	swait.ge @!p0 [sflag:s0], s1  }
0x35: {  	s1 =	ssub.s32 @!p0 $0x0, s1;
	[sflag:s0] =	ssyncset.done @!p0 $0x0  }
0x36: {  	[sflag:s0] =	ssyncadd.s32 @!p0 s1  }
0x37: {  	[bflag:$0x3] =	sbarrier.arrive $0xFFFF  }
0x38: {  	_ =	shalt  }

// kernel: kernel.16.cloned.1.call-start
scs
__scs_entry_jumppad:
0x0: {  	(pc) =	sbr.rel $0x88, $3  }
0x1: {  	(tag) =	ssettag $0x0;
	lr =	simm.s32 $0x1  }
0x2: {  	[smem:$0x3F90] =	sst lr;
	_ =	strace $0xD0000000  }
0x3: {  	_ = 	snop  }
0x4: {  	_ = 	snop  }
0x5: {  	_ = 	snop  }
0x6: {  	_ = 	snop  }
0x7: {  	_ = 	snop  }
__scs_overlays_trampoline_lowered:
0x8: {  	[smem:$0x3F9F] =	sst s0  }
0x9: {  	[smem:$0x3FA0] =	sst s1  }
0xa: {  	[smem:$0x3FA1] =	sst s2  }
0xb: {  	[smem:$0x3FA2] =	sst s3  }
0xc: {  	[smem:$0x3FA3] =	sst s4  }
0xd: {  	[smem:$0x3FA4] =	sst s5  }
0xe: {  	[smem:$0x3FA5] =	sst s6  }
0xf: {  	[smem:$0x3FA6] =	sst s7  }
0x10: {  	[smem:$0x3FA7] =	sst s8  }
0x11: {  	[smem:$0x3FA8] =	sst s9;
	s0 =	simm.s32 @!p0 $0x0  }
0x12: {  	s1 =	sld [smem:$0x3F8E];
	s0 =	simm.s32 @p0 $0x1  }
0x13: {  	[smem:$0x3FA9] =	sst s0;
	s0 =	simm.s32 @!p1 $0x0  }
0x14: {  	s2 =	sld [smem:$0x3F8D];
	s0 =	simm.s32 @p1 $0x1  }
0x15: {  	[smem:$0x3FAA] =	sst s0;
	s0 =	simm.s32 @!p2 $0x0  }
0x16: {  	s3 =	sld [smem:$0x3FDB];
	s0 =	simm.s32 @p2 $0x1  }
0x17: {  	s4 =	simm.s32 $0x1BF5;
	[smem:$0x3FAC] =	sst s0  }
0x18: {  	s0 =	sld [smem:$0x3F8F];
	_ =	swait.ge [sflag:s4], $0x0  }
0x19: {  	s7 =	sld [smem:$0x3F90]  }
0x1a: {  	s8 =	sadd.s32 $0xFFFFE003, lr  }
0x1b: {  	s9 =	sadd.s32 $0xFFFFFEF7, lr;
	s5 =	simm.s32 $0xFFFFFFFF;
	p2 =	slt.u32 s8, $0xFFFFF086  }
0x1c: {  	p1 =	slt.u32 s9, $0xF7A;
	s5 =	simm.s32 @!p2 $0x0  }
0x1d: {  	s5 =	simm.s32 @p1 $0x1;
	p0 =	seq.s32 s7, s2  }
0x1e: {  	s7 =	smul.u32 @!p0 $0xF7A, s2;
	p2 =	seq.s32 @!p0 s5, $0x0  }
0x1f: {  	s9 =	smul.u32 $0xF7A, s1;
	s8 =	simm.s32 @!p0 $0x1BF5;
	p2 =	por !p2, p0  }
0x20: {  	[sflag:s8] =	ssyncset.s32 @!p0 $0xFFFFF086;
	s6 =	sadd.s32 @!p0 s3, s7;
	s7 =	simm.s32 @!p0 $0x108  }
0x21: {  	s3 =	sadd.s32 s3, s9;
	s6 =	sadd.s32 @!p0 $0x88, s6;
	s7 =	simm.s32 @p2 $0x1082  }
0x22: {  	[simem:s7], [sflag:s8] =	dma.local @!p0 [hbm:s6], $0xF7A  }
0x23: {  	s9 =	sor.u32 $0xD0000000, s2;
	s6 =	simm.s32 $0x108;
	_ =	swait.ge @!p0 [sflag:s8], $0x0  }
0x24: {  	s3 =	sadd.s32 $0x88, s3;
	s6 =	simm.s32 @!p1 $0x1082;
	[sflag:s4] =	ssyncset.s32 $0xFFFFF086  }
0x25: {  	[simem:s6], [sflag:s4] =	dma.local [hbm:s3], $0xF7A  }
0x26: {  	[smem:$0x3F90] =	sst s1;
	(tag) =	ssettag s2;
	_ =	strace s9  }
0x27: {  	s1 =	sld [smem:$0x3FA0]  }
0x28: {  	s2 =	sld [smem:$0x3FA1]  }
0x29: {  	s4 =	sld [smem:$0x3FA3]  }
0x2a: {  	p0 =	seq.s32 s5, $0x0;
	s5 =	sld [smem:$0x3FA4]  }
0x2b: {  	s6 =	sld [smem:$0x3FA5]  }
0x2c: {  	s7 =	sld [smem:$0x3FA6]  }
0x2d: {  	s3 =	simm.s32 $0x108;
	s8 =	sld [smem:$0x3FA7]  }
0x2e: {  	s3 =	simm.s32 @!p0 $0x1082;
	s9 =	sld [smem:$0x3FA8]  }
0x2f: {  	lr =	sadd.s32 s0, s3;
	s0 =	sld [smem:$0x3F9F]  }
0x30: {  	s3 =	sld [smem:$0x3FA2]  }
0x31: {  	[smem:$0x3FAB] =	sst s10  }
0x32: {  	s10 =	sld [smem:$0x3FA9];
	_ =	sdelay $0x3  }
0x33: {  	p0 =	seq.s32 s10, $0x1;
	s10 =	sld [smem:$0x3FAB];
	_ =	sdelay $0x3  }
0x34: {  	[smem:$0x3FAB] =	sst s10  }
0x35: {  	s10 =	sld [smem:$0x3FAA];
	_ =	sdelay $0x3  }
0x36: {  	p1 =	seq.s32 s10, $0x1;
	s10 =	sld [smem:$0x3FAB];
	_ =	sdelay $0x3  }
0x37: {  	[smem:$0x3FAB] =	sst s10  }
0x38: {  	s10 =	sld [smem:$0x3FAC]  }
0x39: {  	_ = 	snop;
	(pc) =	sbr.ind lr, $3  }
0x3a: {  	_ = 	snop  }
0x3b: {  	_ = 	snop  }
0x3c: {  	p2 =	seq.s32 s10, $0x1;
	s10 =	sld [smem:$0x3FAB]  }
0x3d: {  	_ =	shalt  }
0x3e: {  	_ =	shalt  }
0x3f: {  	_ =	shalt  }
0x40: {  	_ =	shalt  }
0x41: {  	_ =	shalt  }
0x42: {  	_ =	shalt  }
0x43: {  	_ =	shalt  }
0x44: {  	_ =	shalt  }
0x45: {  	_ =	shalt  }
0x46: {  	_ =	shalt  }
0x47: {  	_ =	shalt  }
0x48: {  	_ =	shalt  }
0x49: {  	_ =	shalt  }
0x4a: {  	_ =	shalt  }
0x4b: {  	_ =	shalt  }
0x4c: {  	_ =	shalt  }
0x4d: {  	_ =	shalt  }
0x4e: {  	_ =	shalt  }
0x4f: {  	_ =	shalt  }
0x50: {  	_ =	shalt  }
0x51: {  	_ =	shalt  }
0x52: {  	_ =	shalt  }
0x53: {  	_ =	shalt  }
0x54: {  	_ =	shalt  }
0x55: {  	_ =	shalt  }
0x56: {  	_ =	shalt  }
0x57: {  	_ =	shalt  }
0x58: {  	_ =	shalt  }
0x59: {  	_ =	shalt  }
0x5a: {  	_ =	shalt  }
0x5b: {  	_ =	shalt  }
0x5c: {  	_ =	shalt  }
0x5d: {  	_ =	shalt  }
0x5e: {  	_ =	shalt  }
0x5f: {  	_ =	shalt  }
0x60: {  	_ =	shalt  }
0x61: {  	_ =	shalt  }
0x62: {  	_ =	shalt  }
0x63: {  	_ =	shalt  }
0x64: {  	_ =	shalt  }
0x65: {  	_ =	shalt  }
0x66: {  	_ =	shalt  }
0x67: {  	_ =	shalt  }
0x68: {  	_ =	shalt  }
0x69: {  	_ =	shalt  }
0x6a: {  	_ =	shalt  }
0x6b: {  	_ =	shalt  }
0x6c: {  	_ =	shalt  }
0x6d: {  	_ =	shalt  }
0x6e: {  	_ =	shalt  }
0x6f: {  	_ =	shalt  }
0x70: {  	_ =	shalt  }
0x71: {  	_ =	shalt  }
0x72: {  	_ =	shalt  }
0x73: {  	_ =	shalt  }
0x74: {  	_ =	shalt  }
0x75: {  	_ =	shalt  }
0x76: {  	_ =	shalt  }
0x77: {  	_ =	shalt  }
0x78: {  	_ =	shalt  }
0x79: {  	_ =	shalt  }
0x7a: {  	_ =	shalt  }
0x7b: {  	_ =	shalt  }
0x7c: {  	_ =	shalt  }
0x7d: {  	_ =	shalt  }
0x7e: {  	_ =	shalt  }
0x7f: {  	_ =	shalt  }
0x80: {  	_ =	shalt  }
0x81: {  	_ =	shalt  }
0x82: {  	_ =	shalt  }
0x83: {  	_ =	shalt  }
0x84: {  	_ =	shalt  }
0x85: {  	_ =	shalt  }
0x86: {  	_ =	shalt  }
0x87: {  	_ =	shalt  }
.Lfunc_end0:
.L_simem_size_0:
called_computation.2_lowered:
.L_overlay_start_0:
0x88: {  	s2 =	sld [smem:$0x3FD9]  }
0x89: {  	s3 =	sld [smem:$0x3FFE];
	_ =	sdelay $0x1  }
0x8a: {  	s1 =	srdreg.scid  }
0x8b: {  	s0 =	sand.u32 $0x1, s1  }
0x8c: {  	s16 =	sshll.u32 s0, $0xA;
	s2 =	sadd.s32 s3, s2  }
0x8d: {  	s2 =	sadd.s32 s2, s16  }
0x8e: {  	[smem:$0x3FB7] =	sst s2  }
0x8f: {  	_ = 	snop  }
0x90: {  	(tm) =	ssettm $0x1  }
0x91: {  	s17 =	sld [smem:$0x3FFB];
	_ =	sdelay $0x3  }
0x92: {  	_ =	strace s17  }
0x93: {  	s2 =	sld [smem:$0x3FFC];
	_ =	sdelay $0x3  }
0x94: {  	_ =	strace s2  }
0x95: {  	s2 =	sld [smem:$0x3FFD];
	_ =	sdelay $0x3  }
0x96: {  	_ =	strace s2  }
0x97: {  	_ =	strace $0x8FFFFFFF  }
0x98: {  	s18 =	sld [smem:$0x3FDB];
	_ =	sdelay $0x1  }
0x99: {  	s19 =	simm.s32 $_scs_section_size  }
0x9a: {  	s4 =	simm.s32 $_size__tile_overlayer_lowered;
	s5 =	simm.s32 $_tile_overlayer_lowered  }
0x9b: {  	s22 =	simm.s32 $0x1BFF;
	s21 =	sshll.u32 s5, $0x1;
	s2 =	sadd.s32 s19, s18  }
0x9c: {  	s6 =	simm.s32 $0x0;
	s20 =	sshll.u32 s4, $0x1;
	s4 =	sadd.s32 s21, s2  }
0x9d: {  	[timem:s6], [sflag:s22] =	dma.local [hbm:s4], s20  }
0x9e: {  	_ =	swait.ge [sflag:s22], s20  }
0x9f: {  	s3 =	ssub.s32 $0x0, s20;
	[sflag:s22] =	ssyncset.done $0x0  }
0xa0: {  	[sflag:s22] =	ssyncadd.s32 s3;
	_ =	sdelay $0x1  }
0xa1: {  	s23 =	simm.s32 $0x1B8B  }
0xa2: {  	_ =	swait.ge [sflag:s23], $0x1  }
0xa3: {  	[sflag:s23] =	ssyncset.done $0x0  }
0xa4: {  	s25 =	simm.s32 $0x1B8E;
	s24 =	sld [smem:$0x3FFE];
	[sflag:s23] =	ssyncadd.s32 $0xFFFFFFFF  }
0xa5: {  	s26 =	simm.s32 $execute0_lowered;
	[smem:$0x3FD2] =	sst s25  }
0xa6: {  	s4 =	sshll.u32 s26, $0x1;
	_ =	strace $0x8000004C;
	[dreg:$0x1] =	wrdreg $0xFFFFFFFF  }
0xa7: {  	s28 =	simm.s32 $_size_execute0_lowered;
	s2 =	sadd.s32 s2, s4;
	[dreg:$0x0] =	wrdreg $0x0  }
0xa8: {  	s4 =	sshll.u32 s28, $0x1;
	[dreg:$0x2] =	wrdreg s2  }
0xa9: {  	[dreg:$0x3] =	wrdreg s4  }
0xaa: {  	[dreg:$0x4] =	wrdreg $0xC0  }
0xab: {  	_ =	task [dreg:s6], $0x5FFFF  }
0xac: {  	[dreg:$0x1] =	wrdreg $0xFFFFFFFF  }
0xad: {  	[dreg:$0x0] =	wrdreg $0x60  }
0xae: {  	[dreg:$0x2] =	wrdreg s24  }
0xaf: {  	[dreg:$0x3] =	wrdreg $0x9  }
0xb0: {  	_ =	task.clear_ibuf [dreg:s6], $0x4FFFF;
	_ =	strace $0x9000004C  }
0xb1: {  	s29 =	simm.s32 $0x9;
	_ =	strace $0x8000004E  }
0xb2: {  	_ =	swait.ge [sflag:s29], $0x1  }
0xb3: {  	[sflag:s29] =	ssyncadd.s32 $0xFFFFFFFF  }
0xb4: {  	_ =	strace $0x9000004E  }
0xb5: {  	_ =	sfence  }
0xb6: {  	s30 =	sld [smem:$0x0];
	_ =	sdelay $0x2  }
0xb7: {  	s31 =	sshll.u32 s1, $0xD;
	s1 =	sshrl.u32 s1, $0x2  }
0xb8: {  	s3 =	sand.u32 $0x4000, s31;
	s1 =	sadd.s32 s1, s30  }
0xb9: {  	s0 =	sor.u32 s3, s0;
	s1 =	sshll.u32 s1, $0x11  }
0xba: {  	s0 =	sor.u32 s1, s0  }
0xbb: {  	s0 =	sadd.s32 $0x8F2B, s0  }
0xbc: {  	[sflag:s0] =	ssyncadd.remote.s32 $0x1  }
0xbd: {  	_ =	sfence.sel $0xFFFF  }
0xbe: {  	[dreg:$0x0] =	wrdreg $0xFFFFFFFF;
	(pc) =	sbr.abs _section_cstart, $3  }
0xbf: {  	[dreg:$0x1] =	wrdreg $0xFFFFFFFF  }
0xc0: {  	_ =	task.clear_ibuf [dreg:s6], $0x2FFFF;
	_ =	strace $0x9FFFFFFF  }
0xc1: {  	(tm) =	ssettm $0x7FFFFFFF  }
tec
execute0_lowered:
.L_overlay_start_1:
0x0: {  	(tag) =	ssettag $0x1  }
0x1: {  	s4 =	rddreg [dreg:$0x0]  }
0x2: {  	s0 =	rddreg [dreg:$0x1]  }
0x3: {  	s3 =	srdreg.scid;
	s1 =	stileid.u32;
	s2 =	simm.s32 $0x0  }
0x4: {  	s11 =	simm.s32 $0x0;
	s5 =	sand.u32 $0x1, s3;
	s28 =	sshll.u32 s1, $0x1  }
0x5: {  	[smem:$0x7FF] =	sst s2;
	s7 =	smul.u32 $0x28000, s1;
	s3 =	sor.u32 s5, s28  }
0x6: {  	_ =	strace $0x8000004D;
	s8 =	ssub.s32 $0x2, s5;
	s10 =	smul.u32 $0x14000, s5  }
0x7: {  	s6 =	smul.u32 $0x1400, s3;
	s3 =	sadd.s32 $0x2B400, s4;
	s9 =	sshrl.u32 s8, $0x1  }
0x8: {  	s30 =	sadd.s32 s7, s4;
	s7 =	simm.s32 $0x2;
	s31 =	ssub.s32 s8, s9  }
0x9: {  	s8 =	simm.s32 $0x80;
	s9 =	simm.s32 $0x1400;
	s6 =	sshrl.u32 s6, $0x3  }
0xa: {  	s5 =	smax.u32 s31, $0x1;
	s29 =	sadd.s32 s6, s4;
	s6 =	sadd.s32 s10, s30  }
0xb: {  	s10 =	simm.s32 $0x1;
	s4 =	sadd.s32 $0x53400, s29;
	s6 =	sadd.s32 $0x58400, s6  }
.LBB2_1:
0xc: {  	[tilespmem:s2], [sflag:$0x2] =	stream.linear.gather [hbm4b:s4+s2], $0x1400, $0x38;
	[tilespmem:$0x5400] =	vst v63  }
0xd: {  	_ =	swait.ge [sflag:s7], $0x1400  }
0xe: {  	[sflag:s7] =	ssyncset.done $0x0  }
0xf: {  	s12 =	simm.s32 $0x0;
	[sflag:s7] =	ssyncadd.s32 $0xFFFFEC00  }
0x10: {  	[tilespmem:s9], [sflag:$0x1] =	stream.indirect.gather [hbm4b:s3+s8], $0x80, s12, s8, $0xb8;
	[tilespmem:$0x5400] =	vst v63  }
0x11: {  	_ =	swait.ge [sflag:s10], $0x4000  }
0x12: {  	[sflag:s10] =	ssyncset.done $0x0  }
0x13: {  	[sflag:s10] =	ssyncadd.s32 $0xFFFFC000  }
0x14: {  	[hbm4b:s6+s2] =	stream.linear.scatter [tilespmem:s9], [sflag:$0x2], $0x4000, $0x38;
	[tilespmem:$0x5400] =	vst v63  }
0x15: {  	s13 =	simm.s32 $0x200;
	_ =	swait.ge [sflag:s7], $0x4000  }
0x16: {  	s14 =	simm.s32 $0x400;
	s12 =	sadd.s32 $0x800, s6;
	[sflag:s7] =	ssyncset.done $0x0  }
.LBB2_2:
0x17: {  	s15 =	sshra.s32 s13, $0x2  }
0x18: {  	[sflag:s7] =	ssyncadd.s32 $0xFFFFC000;
	s13 =	smov.u32 s14;
	s16 =	sadd.s32 $0x200, s14  }
0x19: {  	[tilespmem:s9], [sflag:$0x1] =	stream.indirect.gather [hbm4b:s3+s8], $0x80, s15, s8, $0xb8;
	[tilespmem:$0x5400] =	vst v63  }
0x1a: {  	p0 =	sne.s32 s14, $0x4E00;
	_ =	swait.ge [sflag:s10], $0x4000  }
.Ltmp0:
0x1b: {  	[sflag:s10] =	ssyncset.done $0x0;
	(pc) =	sbr.rel @p0 .LBB2_2-.Ltmp0, $4  }
0x1c: {  	[sflag:s10] =	ssyncadd.s32 $0xFFFFC000  }
0x1d: {  	[hbm4b:s12+s2] =	stream.linear.scatter [tilespmem:s9], [sflag:$0x2], $0x4000, $0x38;
	[tilespmem:$0x5400] =	vst v63  }
0x1e: {  	_ =	swait.ge [sflag:s7], $0x4000  }
0x1f: {  	s14 =	smov.u32 s16;
	s12 =	sadd.s32 $0x800, s12;
	[sflag:s7] =	ssyncset.done $0x0  }
0x20: {  	s13 =	sshra.s32 s13, $0x2;
	[sflag:s7] =	ssyncadd.s32 $0xFFFFC000  }
0x21: {  	[tilespmem:s9], [sflag:$0x1] =	stream.indirect.gather [hbm4b:s3+s8], $0x80, s13, s8, $0xb8;
	[tilespmem:$0x5400] =	vst v63  }
0x22: {  	s11 =	sadd.s32 $0x1, s11;
	_ =	swait.ge [sflag:s10], $0x4000  }
0x23: {  	p0 =	sne.s32 s11, s5;
	[sflag:s10] =	ssyncset.done $0x0  }
.Ltmp1:
0x24: {  	[sflag:s10] =	ssyncadd.s32 $0xFFFFC000;
	(pc) =	sbr.rel @p0 .LBB2_1-.Ltmp1, $4  }
0x25: {  	[hbm4b:s12+s2] =	stream.linear.scatter [tilespmem:s9], [sflag:$0x2], $0x4000, $0x38;
	[tilespmem:$0x5400] =	vst v63  }
0x26: {  	_ =	swait.ge [sflag:s7], $0x4000  }
0x27: {  	[sflag:s7] =	ssyncset.done $0x0  }
0x28: {  	[sflag:s7] =	ssyncadd.s32 $0xFFFFC000  }
0x29: {  	_ =	sfence.sel $0x180000  }
0x2a: {  	[bflag:$0x0] =	sbarrier.arrive $0xFFFF  }
0x2b: {  	p0 =	sne.s32 s1, $0x0;
	_ =	strace $0x9000004D  }
0x2c: {  	s0 =	sadd.s32 @!p0 $0x100000, s0;
	[bflag:$0x2] =	sbarrier.arrive $0xFFFF  }
0x2d: {  	[sflag:s0] =	ssyncadd.tile.s32 @!p0 $0x1;
	_ =	shalt  }
.Lfunc_end2:
_tile_overlayer_lowered:
.L_overlay_start_2:
0x2e: {  	(tag) =	ssettag $0x2  }
0x2f: {  	s0 =	rddreg [dreg:$0x0];
	s2 =	stileid.u32  }
0x30: {  	s1 =	rddreg [dreg:$0x1];
	p0 =	sne.s32 s2, $0x0  }
0x31: {  	s3 =	rddreg [dreg:$0x2];
	[bflag:$0x3] =	sbarrier.arrive $0xFFFF;
	s2 =	simm.s32 @!p0 $0x1C02  }
0x32: {  	[timem:s3], [sflag:s2] =	dma.local @!p0 [hbm:s0], s1  }
0x33: {  	s0 =	simm.s32 @!p0 $0x2  }
0x34: {  	_ =	swait.ge @!p0 [sflag:s0], s1  }
0x35: {  	s1 =	ssub.s32 @!p0 $0x0, s1;
	[sflag:s0] =	ssyncset.done @!p0 $0x0  }
0x36: {  	[sflag:s0] =	ssyncadd.s32 @!p0 s1  }
0x37: {  	[bflag:$0x3] =	sbarrier.arrive $0xFFFF  }
0x38: {  	_ =	shalt  }

</sc_bundles>
